<compile_context>
chip_gen: v7x
topology: tpu7x:2x2x1
jax: 0.10.2.dev20260603
libtpu: 0.0.44.dev20260713+nightly
codegen_flags: <defaults>
</compile_context>

<pallas_src>
import functools

import jax
import jax.numpy as jnp
from jax import lax
from jax.experimental import pallas as pl
from jax.experimental.pallas import tpu as pltpu
from jax.experimental.pallas import tpu_sc as plsc

VOCAB = 100000
EMB = 128
BATCH = 4096

_NC = 2
_NS = 16
_L = 16
_NW = _NC * _NS
_BPW = BATCH // _NW
_NG = 1
_GR = _BPW // _NG

_A0, _C0 = 2 * 0 + 3, (1 + 1) * 1000003
_A1, _C1 = 2 * 2 + 3, (3 + 1) * 1000003


def _hash_mod(h):
    q = (h * jnp.float32(1e-5)).astype(jnp.int32).astype(jnp.float32)
    r = h - q * jnp.float32(100000.0)
    r = jnp.where(r < 0.0, r + jnp.float32(100000.0), r)
    r = jnp.where(r >= 100000.0, r - jnp.float32(100000.0), r)
    return r.astype(jnp.int32)


def _body(x_hbm, w0_hbm, w1_hbm, lw_hbm, out_hbm,
          x_v, idx0_v, idx1_v, rows0_v, rows1_v, w_v,
          gsems, osem):
    wid = lax.axis_index("s") * _NC + lax.axis_index("c")
    base = wid * _BPW
    pltpu.sync_copy(x_hbm.at[pl.ds(base, _BPW)], x_v)

    for i in range(0, _BPW, _L):
        sl = pl.ds(i, _L)
        xf = x_v[sl].astype(jnp.float32)
        idx0_v[sl] = _hash_mod(xf * jnp.float32(_A0) + jnp.float32(_C0))
    rs = pl.ds(0, _BPW)
    g0 = pltpu.async_copy(w0_hbm.at[idx0_v.at[rs]], rows0_v, gsems[0])
    for i in range(0, _BPW, _L):
        sl = pl.ds(i, _L)
        xf = x_v[sl].astype(jnp.float32)
        idx1_v[sl] = _hash_mod(xf * jnp.float32(_A1) + jnp.float32(_C1))
    g1 = pltpu.async_copy(w1_hbm.at[idx1_v.at[rs]], rows1_v, gsems[0])
    gathers = [(g0, g1)]

    pltpu.sync_copy(lw_hbm, w_v.at[pl.ds(0, 2)])
    wv = w_v[...]
    w0v = jnp.broadcast_to(wv[0], (_L,))
    w1v = jnp.broadcast_to(wv[1], (_L,))
    rv = 1.0 / (w0v + w1v)
    s0 = w0v * rv
    s1 = w1v * rv

    outs = []
    for g in range(_NG):
        gathers[g][0].wait()
        gathers[g][1].wait()

        @plsc.parallel_loop(g * _GR, (g + 1) * _GR, unroll=4)
        def _(r):
            for j in range(EMB // _L):
                sl = pl.ds(j * _L, _L)
                rows0_v[r, sl] = rows0_v[r, sl] * s0 + rows1_v[r, sl] * s1

        rs = pl.ds(g * _GR, _GR)
        outs.append(pltpu.async_copy(
            rows0_v.at[rs], out_hbm.at[pl.ds(base + g * _GR, _GR)], osem))
    for cp in outs:
        cp.wait()


@jax.jit
def kernel(x, W0, W1, lookup_weights):
    x = x.astype(jnp.int32)
    lw = lookup_weights.astype(jnp.float32).reshape(2)
    mesh = plsc.VectorSubcoreMesh(core_axis_name="c", subcore_axis_name="s")
    run = functools.partial(
        pl.kernel,
        out_type=jax.ShapeDtypeStruct((BATCH, EMB), jnp.float32),
        mesh=mesh,
        scratch_types=[
            pltpu.VMEM((_BPW,), jnp.int32),
            pltpu.VMEM((_BPW,), jnp.int32),
            pltpu.VMEM((_BPW,), jnp.int32),
            pltpu.VMEM((_BPW, EMB), jnp.float32),
            pltpu.VMEM((_BPW, EMB), jnp.float32),
            pltpu.VMEM((_L,), jnp.float32),
            [pltpu.SemaphoreType.DMA] * _NG,
            pltpu.SemaphoreType.DMA,
        ],
    )(_body)
    return run(x, W0, W1, lw)

# --- scband reference (transcript-rebuilt; emitter-appended) ---
"""Pipeline reference for scband-hash-embedding-61881888801322 (READ-ONLY COPY).

The authoritative reference and input builder live on the scoring server;
editing this copy changes nothing except your own understanding.
"""

import jax, jax.numpy as jnp
import numpy as np

VOCAB = 100000
EMB = 128
NUM_LOOKUP = 2
KEYS = [(0, 1), (2, 3)]
BATCH = 4096


def _hash_bucket(x, key, vocab):
    # Deterministic integer stand-in for tf.strings.to_hash_bucket_strong(x, num_buckets=vocab, key=key).
    # Keeps arithmetic in int32-safe range.
    k0, k1 = key
    h = (x * (2 * k0 + 3) + (k1 + 1) * 1000003) % vocab
    return h


def setup_inputs(seed: int = 0) -> dict:
    key = jax.random.key(seed)
    k1, k2, k3, k4 = jax.random.split(key, 4)
    x = jax.random.randint(k1, (BATCH,), 0, 1000000)
    # glorot_normal for embedding tables: std = sqrt(2 / (fan_in + fan_out))
    std = (2.0 / (VOCAB + EMB)) ** 0.5
    W0 = jax.random.normal(k2, (VOCAB, EMB), dtype=jnp.float32) * std
    W1 = jax.random.normal(k3, (VOCAB, EMB), dtype=jnp.float32) * std
    # glorot_uniform for lookup_weights shape [num_lookup, 1]: limit = sqrt(6 / (fan_in + fan_out))
    limit = (6.0 / (NUM_LOOKUP + 1)) ** 0.5
    lookup_weights = jax.random.uniform(k4, (NUM_LOOKUP, 1), dtype=jnp.float32, minval=-limit, maxval=limit)
    return {"x": x, "W0": W0, "W1": W1, "lookup_weights": lookup_weights}


def reference(x, W0, W1, lookup_weights):
    # x: int[B] raw ids. In the original, x is expanded to [B,1] and hashed per lookup.
    idx0 = _hash_bucket(x, KEYS[0], VOCAB)
    idx1 = _hash_bucket(x, KEYS[1], VOCAB)
    e0 = jnp.take(W0, idx0, axis=0)  # [B, EMB]
    e1 = jnp.take(W1, idx1, axis=0)  # [B, EMB]
    embeddings = jnp.stack([e0, e1], axis=1)  # [B, NUM_LOOKUP, EMB] (concat over the lookup axis)
    weighted_embedding = jnp.sum(embeddings * lookup_weights[None, :, :], axis=1)  # [B, EMB]
    norm_wemb = weighted_embedding / jnp.sum(lookup_weights)
    return norm_wemb

if __name__ == "__main__":
    import jax
    _d = setup_inputs()
    print(jax.jit(kernel)(*tuple(_d.values())))

</pallas_src>

<mosaic_0001>
#map = affine_map<(d0, d1) -> (0)>
#map1 = affine_map<(d0, d1) -> (0, 0)>
module attributes {stable_mosaic.version = 14 : i64} {
  func.func @_body(%arg0: i32, %arg1: i32, %arg2: memref<4096xi32, #tpu.memory_space<hbm>>, %arg3: memref<100000x128xf32, #tpu.memory_space<hbm>>, %arg4: memref<100000x128xf32, #tpu.memory_space<hbm>>, %arg5: memref<2xf32, #tpu.memory_space<hbm>>, %arg6: memref<4096x128xf32, #tpu.memory_space<hbm>>, %arg7: memref<128xi32, #tpu.memory_space<vmem>>, %arg8: memref<128xi32, #tpu.memory_space<vmem>>, %arg9: memref<128xi32, #tpu.memory_space<vmem>>, %arg10: memref<128x128xf32, #tpu.memory_space<vmem>>, %arg11: memref<128x128xf32, #tpu.memory_space<vmem>>, %arg12: memref<16xf32, #tpu.memory_space<vmem>>, %arg13: memref<!tpu.dma_semaphore, #tpu.memory_space<semaphore_mem>>, %arg14: memref<!tpu.dma_semaphore, #tpu.memory_space<semaphore_mem>>) attributes {dimension_semantics = [#tpu.dimension_semantics<core_parallel>, #tpu.dimension_semantics<subcore_parallel>], iteration_bounds = array<i64: 2, 16>, scalar_prefetch = 0 : i64, scratch_operands = 8 : i64, tpu.core_type = #tpu.core_type<sc_vector_subcore>, window_params = [{transform_indices = #map}, {transform_indices = #map1}, {transform_indices = #map1}, {transform_indices = #map}, {transform_indices = #map1}]} {
    %mul3A = arith.constant 2 : i32
    %mul3A_0 = arith.muli %arg1, %mul3A : i32
    %add3A = arith.addi %mul3A_0, %arg0 : i32
    %mul3A_1 = arith.constant 128 : i32
    %mul3A_2 = arith.muli %add3A, %mul3A_1 : i32
    "tpu.region"() ({
      %run_scoped3A = tpu.sem_alloc : memref<!tpu.dma_semaphore, #tpu.memory_space<semaphore_mem>>
      %dma_start3A_657 = tpu.memref_slice %arg2[%mul3A_2] : memref<4096xi32, #tpu.memory_space<hbm>> -> memref<128xi32, #tpu.memory_space<hbm>>
      %dma_start3A_658 = tpu.memref_slice %arg2[%mul3A_2] : memref<4096xi32, #tpu.memory_space<hbm>> -> memref<128xi32, #tpu.memory_space<hbm>>
      tpu.enqueue_dma source(%dma_start3A_658 : memref<128xi32, #tpu.memory_space<hbm>>) target(%arg7 : memref<128xi32, #tpu.memory_space<vmem>>) target_semaphore(%run_scoped3A : memref<!tpu.dma_semaphore, #tpu.memory_space<semaphore_mem>>)
      %dma_wait3A_659 = tpu.memref_slice %arg2[%mul3A_2] : memref<4096xi32, #tpu.memory_space<hbm>> -> memref<128xi32, #tpu.memory_space<hbm>>
      %dma_wait3A_660 = tpu.memref_slice %arg2[%mul3A_2] : memref<4096xi32, #tpu.memory_space<hbm>> -> memref<128xi32, #tpu.memory_space<hbm>>
      tpu.wait_dma2 semaphore(%run_scoped3A : memref<!tpu.dma_semaphore, #tpu.memory_space<semaphore_mem>>) src(%dma_wait3A_660 : memref<128xi32, #tpu.memory_space<hbm>>) dst(%arg7 : memref<128xi32, #tpu.memory_space<vmem>>)
      tpu.yield
    }) : () -> ()
    %get3A = arith.constant 0 : index
    %get3A_3 = tpu.vector_load %arg7[%get3A] {strides = array<i32>} : memref<128xi32, #tpu.memory_space<vmem>>, vector<16xi32>,
    %get3A_4 = vector.shape_cast %get3A_3 : vector<16xi32> to vector<16xi32>
    %convert_element_type3A = arith.sitofp %get3A_4 : vector<16xi32> to vector<16xf32>
    %mul3A_5 = arith.constant 3.000000e+00 : f32
    %mul3A_6 = vector.broadcast %mul3A_5 : f32 to vector<16xf32>
    %mul3A_7 = arith.mulf %convert_element_type3A, %mul3A_6 : vector<16xf32>
    %add3A_8 = arith.constant 0x49F42430 : f32
    %add3A_9 = vector.broadcast %add3A_8 : f32 to vector<16xf32>
    %add3A_10 = arith.addf %mul3A_7, %add3A_9 : vector<16xf32>
    %mul3A_11 = arith.constant 9.99999974E-6 : f32
    %mul3A_12 = vector.broadcast %mul3A_11 : f32 to vector<16xf32>
    %mul3A_13 = arith.mulf %add3A_10, %mul3A_12 : vector<16xf32>
    %convert_element_type3A_14 = arith.fptosi %mul3A_13 : vector<16xf32> to vector<16xi32>
    %convert_element_type3A_15 = arith.sitofp %convert_element_type3A_14 : vector<16xi32> to vector<16xf32>
    %mul3A_16 = arith.constant 1.000000e+05 : f32
    %mul3A_17 = vector.broadcast %mul3A_16 : f32 to vector<16xf32>
    %mul3A_18 = arith.mulf %convert_element_type3A_15, %mul3A_17 : vector<16xf32>
    %sub3A = arith.subf %add3A_10, %mul3A_18 : vector<16xf32>
    %lt3A = arith.constant 0.000000e+00 : f32
    %lt3A_19 = vector.broadcast %lt3A : f32 to vector<16xf32>
    %lt3A_20 = arith.cmpf olt, %sub3A, %lt3A_19 : vector<16xf32>
    %add3A_21 = arith.constant 1.000000e+05 : f32
    %add3A_22 = vector.broadcast %add3A_21 : f32 to vector<16xf32>
    %add3A_23 = arith.addf %sub3A, %add3A_22 : vector<16xf32>
    %select_n3A = arith.select %lt3A_20, %add3A_23, %sub3A : vector<16xi1>, vector<16xf32>
    %ge3A = arith.constant 1.000000e+05 : f32
    %ge3A_24 = vector.broadcast %ge3A : f32 to vector<16xf32>
    %ge3A_25 = arith.cmpf oge, %select_n3A, %ge3A_24 : vector<16xf32>
    %sub3A_26 = arith.constant 1.000000e+05 : f32
    %sub3A_27 = vector.broadcast %sub3A_26 : f32 to vector<16xf32>
    %sub3A_28 = arith.subf %select_n3A, %sub3A_27 : vector<16xf32>
    %select_n3A_29 = arith.select %ge3A_25, %sub3A_28, %select_n3A : vector<16xi1>, vector<16xf32>
    %convert_element_type3A_30 = arith.fptosi %select_n3A_29 : vector<16xf32> to vector<16xi32>
    %swap3A = arith.constant 0 : index
    %swap3A_31 = tpu.vector_load %arg8[%swap3A] {strides = array<i32>} : memref<128xi32, #tpu.memory_space<vmem>>, vector<16xi32>,
    %swap3A_32 = vector.shape_cast %swap3A_31 : vector<16xi32> to vector<16xi32>
    %swap3A_33 = vector.shape_cast %convert_element_type3A_30 : vector<16xi32> to vector<16xi32>
    tpu.vector_store %arg8[%swap3A], %swap3A_33 {strides = array<i32>} : memref<128xi32, #tpu.memory_space<vmem>>, vector<16xi32>,
    %get3A_34 = arith.constant 16 : index
    %get3A_35 = tpu.vector_load %arg7[%get3A_34] {strides = array<i32>} : memref<128xi32, #tpu.memory_space<vmem>>, vector<16xi32>,
    %get3A_36 = vector.shape_cast %get3A_35 : vector<16xi32> to vector<16xi32>
    %convert_element_type3A_37 = arith.sitofp %get3A_36 : vector<16xi32> to vector<16xf32>
    %mul3A_38 = arith.constant 3.000000e+00 : f32
    %mul3A_39 = vector.broadcast %mul3A_38 : f32 to vector<16xf32>
    %mul3A_40 = arith.mulf %convert_element_type3A_37, %mul3A_39 : vector<16xf32>
    %add3A_41 = arith.constant 0x49F42430 : f32
    %add3A_42 = vector.broadcast %add3A_41 : f32 to vector<16xf32>
    %add3A_43 = arith.addf %mul3A_40, %add3A_42 : vector<16xf32>
    %mul3A_44 = arith.constant 9.99999974E-6 : f32
    %mul3A_45 = vector.broadcast %mul3A_44 : f32 to vector<16xf32>
    %mul3A_46 = arith.mulf %add3A_43, %mul3A_45 : vector<16xf32>
    %convert_element_type3A_47 = arith.fptosi %mul3A_46 : vector<16xf32> to vector<16xi32>
    %convert_element_type3A_48 = arith.sitofp %convert_element_type3A_47 : vector<16xi32> to vector<16xf32>
    %mul3A_49 = arith.constant 1.000000e+05 : f32
    %mul3A_50 = vector.broadcast %mul3A_49 : f32 to vector<16xf32>
    %mul3A_51 = arith.mulf %convert_element_type3A_48, %mul3A_50 : vector<16xf32>
    %sub3A_52 = arith.subf %add3A_43, %mul3A_51 : vector<16xf32>
    %lt3A_53 = arith.constant 0.000000e+00 : f32
    %lt3A_54 = vector.broadcast %lt3A_53 : f32 to vector<16xf32>
    %lt3A_55 = arith.cmpf olt, %sub3A_52, %lt3A_54 : vector<16xf32>
    %add3A_56 = arith.constant 1.000000e+05 : f32
    %add3A_57 = vector.broadcast %add3A_56 : f32 to vector<16xf32>
    %add3A_58 = arith.addf %sub3A_52, %add3A_57 : vector<16xf32>
    %select_n3A_59 = arith.select %lt3A_55, %add3A_58, %sub3A_52 : vector<16xi1>, vector<16xf32>
    %ge3A_60 = arith.constant 1.000000e+05 : f32
    %ge3A_61 = vector.broadcast %ge3A_60 : f32 to vector<16xf32>
    %ge3A_62 = arith.cmpf oge, %select_n3A_59, %ge3A_61 : vector<16xf32>
    %sub3A_63 = arith.constant 1.000000e+05 : f32
    %sub3A_64 = vector.broadcast %sub3A_63 : f32 to vector<16xf32>
    %sub3A_65 = arith.subf %select_n3A_59, %sub3A_64 : vector<16xf32>
    %select_n3A_66 = arith.select %ge3A_62, %sub3A_65, %select_n3A_59 : vector<16xi1>, vector<16xf32>
    %convert_element_type3A_67 = arith.fptosi %select_n3A_66 : vector<16xf32> to vector<16xi32>
    %swap3A_68 = arith.constant 16 : index
    %swap3A_69 = tpu.vector_load %arg8[%swap3A_68] {strides = array<i32>} : memref<128xi32, #tpu.memory_space<vmem>>, vector<16xi32>,
    %swap3A_70 = vector.shape_cast %swap3A_69 : vector<16xi32> to vector<16xi32>
    %swap3A_71 = vector.shape_cast %convert_element_type3A_67 : vector<16xi32> to vector<16xi32>
    tpu.vector_store %arg8[%swap3A_68], %swap3A_71 {strides = array<i32>} : memref<128xi32, #tpu.memory_space<vmem>>, vector<16xi32>,
    %get3A_72 = arith.constant 32 : index
    %get3A_73 = tpu.vector_load %arg7[%get3A_72] {strides = array<i32>} : memref<128xi32, #tpu.memory_space<vmem>>, vector<16xi32>,
    %get3A_74 = vector.shape_cast %get3A_73 : vector<16xi32> to vector<16xi32>
    %convert_element_type3A_75 = arith.sitofp %get3A_74 : vector<16xi32> to vector<16xf32>
    %mul3A_76 = arith.constant 3.000000e+00 : f32
    %mul3A_77 = vector.broadcast %mul3A_76 : f32 to vector<16xf32>
    %mul3A_78 = arith.mulf %convert_element_type3A_75, %mul3A_77 : vector<16xf32>
    %add3A_79 = arith.constant 0x49F42430 : f32
    %add3A_80 = vector.broadcast %add3A_79 : f32 to vector<16xf32>
    %add3A_81 = arith.addf %mul3A_78, %add3A_80 : vector<16xf32>
    %mul3A_82 = arith.constant 9.99999974E-6 : f32
    %mul3A_83 = vector.broadcast %mul3A_82 : f32 to vector<16xf32>
    %mul3A_84 = arith.mulf %add3A_81, %mul3A_83 : vector<16xf32>
    %convert_element_type3A_85 = arith.fptosi %mul3A_84 : vector<16xf32> to vector<16xi32>
    %convert_element_type3A_86 = arith.sitofp %convert_element_type3A_85 : vector<16xi32> to vector<16xf32>
    %mul3A_87 = arith.constant 1.000000e+05 : f32
    %mul3A_88 = vector.broadcast %mul3A_87 : f32 to vector<16xf32>
    %mul3A_89 = arith.mulf %convert_element_type3A_86, %mul3A_88 : vector<16xf32>
    %sub3A_90 = arith.subf %add3A_81, %mul3A_89 : vector<16xf32>
    %lt3A_91 = arith.constant 0.000000e+00 : f32
    %lt3A_92 = vector.broadcast %lt3A_91 : f32 to vector<16xf32>
    %lt3A_93 = arith.cmpf olt, %sub3A_90, %lt3A_92 : vector<16xf32>
    %add3A_94 = arith.constant 1.000000e+05 : f32
    %add3A_95 = vector.broadcast %add3A_94 : f32 to vector<16xf32>
    %add3A_96 = arith.addf %sub3A_90, %add3A_95 : vector<16xf32>
    %select_n3A_97 = arith.select %lt3A_93, %add3A_96, %sub3A_90 : vector<16xi1>, vector<16xf32>
    %ge3A_98 = arith.constant 1.000000e+05 : f32
    %ge3A_99 = vector.broadcast %ge3A_98 : f32 to vector<16xf32>
    %ge3A_100 = arith.cmpf oge, %select_n3A_97, %ge3A_99 : vector<16xf32>
    %sub3A_101 = arith.constant 1.000000e+05 : f32
    %sub3A_102 = vector.broadcast %sub3A_101 : f32 to vector<16xf32>
    %sub3A_103 = arith.subf %select_n3A_97, %sub3A_102 : vector<16xf32>
    %select_n3A_104 = arith.select %ge3A_100, %sub3A_103, %select_n3A_97 : vector<16xi1>, vector<16xf32>
    %convert_element_type3A_105 = arith.fptosi %select_n3A_104 : vector<16xf32> to vector<16xi32>
    %swap3A_106 = arith.constant 32 : index
    %swap3A_107 = tpu.vector_load %arg8[%swap3A_106] {strides = array<i32>} : memref<128xi32, #tpu.memory_space<vmem>>, vector<16xi32>,
    %swap3A_108 = vector.shape_cast %swap3A_107 : vector<16xi32> to vector<16xi32>
    %swap3A_109 = vector.shape_cast %convert_element_type3A_105 : vector<16xi32> to vector<16xi32>
    tpu.vector_store %arg8[%swap3A_106], %swap3A_109 {strides = array<i32>} : memref<128xi32, #tpu.memory_space<vmem>>, vector<16xi32>,
    %get3A_110 = arith.constant 48 : index
    %get3A_111 = tpu.vector_load %arg7[%get3A_110] {strides = array<i32>} : memref<128xi32, #tpu.memory_space<vmem>>, vector<16xi32>,
    %get3A_112 = vector.shape_cast %get3A_111 : vector<16xi32> to vector<16xi32>
    %convert_element_type3A_113 = arith.sitofp %get3A_112 : vector<16xi32> to vector<16xf32>
    %mul3A_114 = arith.constant 3.000000e+00 : f32
    %mul3A_115 = vector.broadcast %mul3A_114 : f32 to vector<16xf32>
    %mul3A_116 = arith.mulf %convert_element_type3A_113, %mul3A_115 : vector<16xf32>
    %add3A_117 = arith.constant 0x49F42430 : f32
    %add3A_118 = vector.broadcast %add3A_117 : f32 to vector<16xf32>
    %add3A_119 = arith.addf %mul3A_116, %add3A_118 : vector<16xf32>
    %mul3A_120 = arith.constant 9.99999974E-6 : f32
    %mul3A_121 = vector.broadcast %mul3A_120 : f32 to vector<16xf32>
    %mul3A_122 = arith.mulf %add3A_119, %mul3A_121 : vector<16xf32>
    %convert_element_type3A_123 = arith.fptosi %mul3A_122 : vector<16xf32> to vector<16xi32>
    %convert_element_type3A_124 = arith.sitofp %convert_element_type3A_123 : vector<16xi32> to vector<16xf32>
    %mul3A_125 = arith.constant 1.000000e+05 : f32
    %mul3A_126 = vector.broadcast %mul3A_125 : f32 to vector<16xf32>
    %mul3A_127 = arith.mulf %convert_element_type3A_124, %mul3A_126 : vector<16xf32>
    %sub3A_128 = arith.subf %add3A_119, %mul3A_127 : vector<16xf32>
    %lt3A_129 = arith.constant 0.000000e+00 : f32
    %lt3A_130 = vector.broadcast %lt3A_129 : f32 to vector<16xf32>
    %lt3A_131 = arith.cmpf olt, %sub3A_128, %lt3A_130 : vector<16xf32>
    %add3A_132 = arith.constant 1.000000e+05 : f32
    %add3A_133 = vector.broadcast %add3A_132 : f32 to vector<16xf32>
    %add3A_134 = arith.addf %sub3A_128, %add3A_133 : vector<16xf32>
    %select_n3A_135 = arith.select %lt3A_131, %add3A_134, %sub3A_128 : vector<16xi1>, vector<16xf32>
    %ge3A_136 = arith.constant 1.000000e+05 : f32
    %ge3A_137 = vector.broadcast %ge3A_136 : f32 to vector<16xf32>
    %ge3A_138 = arith.cmpf oge, %select_n3A_135, %ge3A_137 : vector<16xf32>
    %sub3A_139 = arith.constant 1.000000e+05 : f32
    %sub3A_140 = vector.broadcast %sub3A_139 : f32 to vector<16xf32>
    %sub3A_141 = arith.subf %select_n3A_135, %sub3A_140 : vector<16xf32>
    %select_n3A_142 = arith.select %ge3A_138, %sub3A_141, %select_n3A_135 : vector<16xi1>, vector<16xf32>
    %convert_element_type3A_143 = arith.fptosi %select_n3A_142 : vector<16xf32> to vector<16xi32>
    %swap3A_144 = arith.constant 48 : index
    %swap3A_145 = tpu.vector_load %arg8[%swap3A_144] {strides = array<i32>} : memref<128xi32, #tpu.memory_space<vmem>>, vector<16xi32>,
    %swap3A_146 = vector.shape_cast %swap3A_145 : vector<16xi32> to vector<16xi32>
    %swap3A_147 = vector.shape_cast %convert_element_type3A_143 : vector<16xi32> to vector<16xi32>
    tpu.vector_store %arg8[%swap3A_144], %swap3A_147 {strides = array<i32>} : memref<128xi32, #tpu.memory_space<vmem>>, vector<16xi32>,
    %get3A_148 = arith.constant 64 : index
    %get3A_149 = tpu.vector_load %arg7[%get3A_148] {strides = array<i32>} : memref<128xi32, #tpu.memory_space<vmem>>, vector<16xi32>,
    %get3A_150 = vector.shape_cast %get3A_149 : vector<16xi32> to vector<16xi32>
    %convert_element_type3A_151 = arith.sitofp %get3A_150 : vector<16xi32> to vector<16xf32>
    %mul3A_152 = arith.constant 3.000000e+00 : f32
    %mul3A_153 = vector.broadcast %mul3A_152 : f32 to vector<16xf32>
    %mul3A_154 = arith.mulf %convert_element_type3A_151, %mul3A_153 : vector<16xf32>
    %add3A_155 = arith.constant 0x49F42430 : f32
    %add3A_156 = vector.broadcast %add3A_155 : f32 to vector<16xf32>
    %add3A_157 = arith.addf %mul3A_154, %add3A_156 : vector<16xf32>
    %mul3A_158 = arith.constant 9.99999974E-6 : f32
    %mul3A_159 = vector.broadcast %mul3A_158 : f32 to vector<16xf32>
    %mul3A_160 = arith.mulf %add3A_157, %mul3A_159 : vector<16xf32>
    %convert_element_type3A_161 = arith.fptosi %mul3A_160 : vector<16xf32> to vector<16xi32>
    %convert_element_type3A_162 = arith.sitofp %convert_element_type3A_161 : vector<16xi32> to vector<16xf32>
    %mul3A_163 = arith.constant 1.000000e+05 : f32
    %mul3A_164 = vector.broadcast %mul3A_163 : f32 to vector<16xf32>
    %mul3A_165 = arith.mulf %convert_element_type3A_162, %mul3A_164 : vector<16xf32>
    %sub3A_166 = arith.subf %add3A_157, %mul3A_165 : vector<16xf32>
    %lt3A_167 = arith.constant 0.000000e+00 : f32
    %lt3A_168 = vector.broadcast %lt3A_167 : f32 to vector<16xf32>
    %lt3A_169 = arith.cmpf olt, %sub3A_166, %lt3A_168 : vector<16xf32>
    %add3A_170 = arith.constant 1.000000e+05 : f32
    %add3A_171 = vector.broadcast %add3A_170 : f32 to vector<16xf32>
    %add3A_172 = arith.addf %sub3A_166, %add3A_171 : vector<16xf32>
    %select_n3A_173 = arith.select %lt3A_169, %add3A_172, %sub3A_166 : vector<16xi1>, vector<16xf32>
    %ge3A_174 = arith.constant 1.000000e+05 : f32
    %ge3A_175 = vector.broadcast %ge3A_174 : f32 to vector<16xf32>
    %ge3A_176 = arith.cmpf oge, %select_n3A_173, %ge3A_175 : vector<16xf32>
    %sub3A_177 = arith.constant 1.000000e+05 : f32
    %sub3A_178 = vector.broadcast %sub3A_177 : f32 to vector<16xf32>
    %sub3A_179 = arith.subf %select_n3A_173, %sub3A_178 : vector<16xf32>
    %select_n3A_180 = arith.select %ge3A_176, %sub3A_179, %select_n3A_173 : vector<16xi1>, vector<16xf32>
    %convert_element_type3A_181 = arith.fptosi %select_n3A_180 : vector<16xf32> to vector<16xi32>
    %swap3A_182 = arith.constant 64 : index
    %swap3A_183 = tpu.vector_load %arg8[%swap3A_182] {strides = array<i32>} : memref<128xi32, #tpu.memory_space<vmem>>, vector<16xi32>,
    %swap3A_184 = vector.shape_cast %swap3A_183 : vector<16xi32> to vector<16xi32>
    %swap3A_185 = vector.shape_cast %convert_element_type3A_181 : vector<16xi32> to vector<16xi32>
    tpu.vector_store %arg8[%swap3A_182], %swap3A_185 {strides = array<i32>} : memref<128xi32, #tpu.memory_space<vmem>>, vector<16xi32>,
    %get3A_186 = arith.constant 80 : index
    %get3A_187 = tpu.vector_load %arg7[%get3A_186] {strides = array<i32>} : memref<128xi32, #tpu.memory_space<vmem>>, vector<16xi32>,
    %get3A_188 = vector.shape_cast %get3A_187 : vector<16xi32> to vector<16xi32>
    %convert_element_type3A_189 = arith.sitofp %get3A_188 : vector<16xi32> to vector<16xf32>
    %mul3A_190 = arith.constant 3.000000e+00 : f32
    %mul3A_191 = vector.broadcast %mul3A_190 : f32 to vector<16xf32>
    %mul3A_192 = arith.mulf %convert_element_type3A_189, %mul3A_191 : vector<16xf32>
    %add3A_193 = arith.constant 0x49F42430 : f32
    %add3A_194 = vector.broadcast %add3A_193 : f32 to vector<16xf32>
    %add3A_195 = arith.addf %mul3A_192, %add3A_194 : vector<16xf32>
    %mul3A_196 = arith.constant 9.99999974E-6 : f32
    %mul3A_197 = vector.broadcast %mul3A_196 : f32 to vector<16xf32>
    %mul3A_198 = arith.mulf %add3A_195, %mul3A_197 : vector<16xf32>
    %convert_element_type3A_199 = arith.fptosi %mul3A_198 : vector<16xf32> to vector<16xi32>
    %convert_element_type3A_200 = arith.sitofp %convert_element_type3A_199 : vector<16xi32> to vector<16xf32>
    %mul3A_201 = arith.constant 1.000000e+05 : f32
    %mul3A_202 = vector.broadcast %mul3A_201 : f32 to vector<16xf32>
    %mul3A_203 = arith.mulf %convert_element_type3A_200, %mul3A_202 : vector<16xf32>
    %sub3A_204 = arith.subf %add3A_195, %mul3A_203 : vector<16xf32>
    %lt3A_205 = arith.constant 0.000000e+00 : f32
    %lt3A_206 = vector.broadcast %lt3A_205 : f32 to vector<16xf32>
    %lt3A_207 = arith.cmpf olt, %sub3A_204, %lt3A_206 : vector<16xf32>
    %add3A_208 = arith.constant 1.000000e+05 : f32
    %add3A_209 = vector.broadcast %add3A_208 : f32 to vector<16xf32>
    %add3A_210 = arith.addf %sub3A_204, %add3A_209 : vector<16xf32>
    %select_n3A_211 = arith.select %lt3A_207, %add3A_210, %sub3A_204 : vector<16xi1>, vector<16xf32>
    %ge3A_212 = arith.constant 1.000000e+05 : f32
    %ge3A_213 = vector.broadcast %ge3A_212 : f32 to vector<16xf32>
    %ge3A_214 = arith.cmpf oge, %select_n3A_211, %ge3A_213 : vector<16xf32>
    %sub3A_215 = arith.constant 1.000000e+05 : f32
    %sub3A_216 = vector.broadcast %sub3A_215 : f32 to vector<16xf32>
    %sub3A_217 = arith.subf %select_n3A_211, %sub3A_216 : vector<16xf32>
    %select_n3A_218 = arith.select %ge3A_214, %sub3A_217, %select_n3A_211 : vector<16xi1>, vector<16xf32>
    %convert_element_type3A_219 = arith.fptosi %select_n3A_218 : vector<16xf32> to vector<16xi32>
    %swap3A_220 = arith.constant 80 : index
    %swap3A_221 = tpu.vector_load %arg8[%swap3A_220] {strides = array<i32>} : memref<128xi32, #tpu.memory_space<vmem>>, vector<16xi32>,
    %swap3A_222 = vector.shape_cast %swap3A_221 : vector<16xi32> to vector<16xi32>
    %swap3A_223 = vector.shape_cast %convert_element_type3A_219 : vector<16xi32> to vector<16xi32>
    tpu.vector_store %arg8[%swap3A_220], %swap3A_223 {strides = array<i32>} : memref<128xi32, #tpu.memory_space<vmem>>, vector<16xi32>,
    %get3A_224 = arith.constant 96 : index
    %get3A_225 = tpu.vector_load %arg7[%get3A_224] {strides = array<i32>} : memref<128xi32, #tpu.memory_space<vmem>>, vector<16xi32>,
    %get3A_226 = vector.shape_cast %get3A_225 : vector<16xi32> to vector<16xi32>
    %convert_element_type3A_227 = arith.sitofp %get3A_226 : vector<16xi32> to vector<16xf32>
    %mul3A_228 = arith.constant 3.000000e+00 : f32
    %mul3A_229 = vector.broadcast %mul3A_228 : f32 to vector<16xf32>
    %mul3A_230 = arith.mulf %convert_element_type3A_227, %mul3A_229 : vector<16xf32>
    %add3A_231 = arith.constant 0x49F42430 : f32
    %add3A_232 = vector.broadcast %add3A_231 : f32 to vector<16xf32>
    %add3A_233 = arith.addf %mul3A_230, %add3A_232 : vector<16xf32>
    %mul3A_234 = arith.constant 9.99999974E-6 : f32
    %mul3A_235 = vector.broadcast %mul3A_234 : f32 to vector<16xf32>
    %mul3A_236 = arith.mulf %add3A_233, %mul3A_235 : vector<16xf32>
    %convert_element_type3A_237 = arith.fptosi %mul3A_236 : vector<16xf32> to vector<16xi32>
    %convert_element_type3A_238 = arith.sitofp %convert_element_type3A_237 : vector<16xi32> to vector<16xf32>
    %mul3A_239 = arith.constant 1.000000e+05 : f32
    %mul3A_240 = vector.broadcast %mul3A_239 : f32 to vector<16xf32>
    %mul3A_241 = arith.mulf %convert_element_type3A_238, %mul3A_240 : vector<16xf32>
    %sub3A_242 = arith.subf %add3A_233, %mul3A_241 : vector<16xf32>
    %lt3A_243 = arith.constant 0.000000e+00 : f32
    %lt3A_244 = vector.broadcast %lt3A_243 : f32 to vector<16xf32>
    %lt3A_245 = arith.cmpf olt, %sub3A_242, %lt3A_244 : vector<16xf32>
    %add3A_246 = arith.constant 1.000000e+05 : f32
    %add3A_247 = vector.broadcast %add3A_246 : f32 to vector<16xf32>
    %add3A_248 = arith.addf %sub3A_242, %add3A_247 : vector<16xf32>
    %select_n3A_249 = arith.select %lt3A_245, %add3A_248, %sub3A_242 : vector<16xi1>, vector<16xf32>
    %ge3A_250 = arith.constant 1.000000e+05 : f32
    %ge3A_251 = vector.broadcast %ge3A_250 : f32 to vector<16xf32>
    %ge3A_252 = arith.cmpf oge, %select_n3A_249, %ge3A_251 : vector<16xf32>
    %sub3A_253 = arith.constant 1.000000e+05 : f32
    %sub3A_254 = vector.broadcast %sub3A_253 : f32 to vector<16xf32>
    %sub3A_255 = arith.subf %select_n3A_249, %sub3A_254 : vector<16xf32>
    %select_n3A_256 = arith.select %ge3A_252, %sub3A_255, %select_n3A_249 : vector<16xi1>, vector<16xf32>
    %convert_element_type3A_257 = arith.fptosi %select_n3A_256 : vector<16xf32> to vector<16xi32>
    %swap3A_258 = arith.constant 96 : index
    %swap3A_259 = tpu.vector_load %arg8[%swap3A_258] {strides = array<i32>} : memref<128xi32, #tpu.memory_space<vmem>>, vector<16xi32>,
    %swap3A_260 = vector.shape_cast %swap3A_259 : vector<16xi32> to vector<16xi32>
    %swap3A_261 = vector.shape_cast %convert_element_type3A_257 : vector<16xi32> to vector<16xi32>
    tpu.vector_store %arg8[%swap3A_258], %swap3A_261 {strides = array<i32>} : memref<128xi32, #tpu.memory_space<vmem>>, vector<16xi32>,
    %get3A_262 = arith.constant 112 : index
    %get3A_263 = tpu.vector_load %arg7[%get3A_262] {strides = array<i32>} : memref<128xi32, #tpu.memory_space<vmem>>, vector<16xi32>,
    %get3A_264 = vector.shape_cast %get3A_263 : vector<16xi32> to vector<16xi32>
    %convert_element_type3A_265 = arith.sitofp %get3A_264 : vector<16xi32> to vector<16xf32>
    %mul3A_266 = arith.constant 3.000000e+00 : f32
    %mul3A_267 = vector.broadcast %mul3A_266 : f32 to vector<16xf32>
    %mul3A_268 = arith.mulf %convert_element_type3A_265, %mul3A_267 : vector<16xf32>
    %add3A_269 = arith.constant 0x49F42430 : f32
    %add3A_270 = vector.broadcast %add3A_269 : f32 to vector<16xf32>
    %add3A_271 = arith.addf %mul3A_268, %add3A_270 : vector<16xf32>
    %mul3A_272 = arith.constant 9.99999974E-6 : f32
    %mul3A_273 = vector.broadcast %mul3A_272 : f32 to vector<16xf32>
    %mul3A_274 = arith.mulf %add3A_271, %mul3A_273 : vector<16xf32>
    %convert_element_type3A_275 = arith.fptosi %mul3A_274 : vector<16xf32> to vector<16xi32>
    %convert_element_type3A_276 = arith.sitofp %convert_element_type3A_275 : vector<16xi32> to vector<16xf32>
    %mul3A_277 = arith.constant 1.000000e+05 : f32
    %mul3A_278 = vector.broadcast %mul3A_277 : f32 to vector<16xf32>
    %mul3A_279 = arith.mulf %convert_element_type3A_276, %mul3A_278 : vector<16xf32>
    %sub3A_280 = arith.subf %add3A_271, %mul3A_279 : vector<16xf32>
    %lt3A_281 = arith.constant 0.000000e+00 : f32
    %lt3A_282 = vector.broadcast %lt3A_281 : f32 to vector<16xf32>
    %lt3A_283 = arith.cmpf olt, %sub3A_280, %lt3A_282 : vector<16xf32>
    %add3A_284 = arith.constant 1.000000e+05 : f32
    %add3A_285 = vector.broadcast %add3A_284 : f32 to vector<16xf32>
    %add3A_286 = arith.addf %sub3A_280, %add3A_285 : vector<16xf32>
    %select_n3A_287 = arith.select %lt3A_283, %add3A_286, %sub3A_280 : vector<16xi1>, vector<16xf32>
    %ge3A_288 = arith.constant 1.000000e+05 : f32
    %ge3A_289 = vector.broadcast %ge3A_288 : f32 to vector<16xf32>
    %ge3A_290 = arith.cmpf oge, %select_n3A_287, %ge3A_289 : vector<16xf32>
    %sub3A_291 = arith.constant 1.000000e+05 : f32
    %sub3A_292 = vector.broadcast %sub3A_291 : f32 to vector<16xf32>
    %sub3A_293 = arith.subf %select_n3A_287, %sub3A_292 : vector<16xf32>
    %select_n3A_294 = arith.select %ge3A_290, %sub3A_293, %select_n3A_287 : vector<16xi1>, vector<16xf32>
    %convert_element_type3A_295 = arith.fptosi %select_n3A_294 : vector<16xf32> to vector<16xi32>
    %swap3A_296 = arith.constant 112 : index
    %swap3A_297 = tpu.vector_load %arg8[%swap3A_296] {strides = array<i32>} : memref<128xi32, #tpu.memory_space<vmem>>, vector<16xi32>,
    %swap3A_298 = vector.shape_cast %swap3A_297 : vector<16xi32> to vector<16xi32>
    %swap3A_299 = vector.shape_cast %convert_element_type3A_295 : vector<16xi32> to vector<16xi32>
    tpu.vector_store %arg8[%swap3A_296], %swap3A_299 {strides = array<i32>} : memref<128xi32, #tpu.memory_space<vmem>>, vector<16xi32>,
    %dma_start3A = arith.constant 0 : i32
    %dma_start3A_300 = tpu.memref_slice %arg8[%dma_start3A] : memref<128xi32, #tpu.memory_space<vmem>> -> memref<128xi32, #tpu.memory_space<vmem>>
    %dma_start3A_301 = arith.constant 0 : i32
    %dma_start3A_302 = arith.constant 0 : i32
    %dma_start3A_303 = tpu.memref_slice %arg3[%dma_start3A_301, %dma_start3A_302] : memref<100000x128xf32, #tpu.memory_space<hbm>> -> memref<100000x128xf32, #tpu.memory_space<hbm>>
    tpu.enqueue_indirect_dma source(%dma_start3A_303 : memref<100000x128xf32, #tpu.memory_space<hbm>>) target(%arg10 : memref<128x128xf32, #tpu.memory_space<vmem>>) offsets(%dma_start3A_300 : memref<128xi32, #tpu.memory_space<vmem>>) semaphore(%arg13 : memref<!tpu.dma_semaphore, #tpu.memory_space<semaphore_mem>>)
    %get3A_304 = arith.constant 0 : index
    %get3A_305 = tpu.vector_load %arg7[%get3A_304] {strides = array<i32>} : memref<128xi32, #tpu.memory_space<vmem>>, vector<16xi32>,
    %get3A_306 = vector.shape_cast %get3A_305 : vector<16xi32> to vector<16xi32>
    %convert_element_type3A_307 = arith.sitofp %get3A_306 : vector<16xi32> to vector<16xf32>
    %mul3A_308 = arith.constant 7.000000e+00 : f32
    %mul3A_309 = vector.broadcast %mul3A_308 : f32 to vector<16xf32>
    %mul3A_310 = arith.mulf %convert_element_type3A_307, %mul3A_309 : vector<16xf32>
    %add3A_311 = arith.constant 0x4A742430 : f32
    %add3A_312 = vector.broadcast %add3A_311 : f32 to vector<16xf32>
    %add3A_313 = arith.addf %mul3A_310, %add3A_312 : vector<16xf32>
    %mul3A_314 = arith.constant 9.99999974E-6 : f32
    %mul3A_315 = vector.broadcast %mul3A_314 : f32 to vector<16xf32>
    %mul3A_316 = arith.mulf %add3A_313, %mul3A_315 : vector<16xf32>
    %convert_element_type3A_317 = arith.fptosi %mul3A_316 : vector<16xf32> to vector<16xi32>
    %convert_element_type3A_318 = arith.sitofp %convert_element_type3A_317 : vector<16xi32> to vector<16xf32>
    %mul3A_319 = arith.constant 1.000000e+05 : f32
    %mul3A_320 = vector.broadcast %mul3A_319 : f32 to vector<16xf32>
    %mul3A_321 = arith.mulf %convert_element_type3A_318, %mul3A_320 : vector<16xf32>
    %sub3A_322 = arith.subf %add3A_313, %mul3A_321 : vector<16xf32>
    %lt3A_323 = arith.constant 0.000000e+00 : f32
    %lt3A_324 = vector.broadcast %lt3A_323 : f32 to vector<16xf32>
    %lt3A_325 = arith.cmpf olt, %sub3A_322, %lt3A_324 : vector<16xf32>
    %add3A_326 = arith.constant 1.000000e+05 : f32
    %add3A_327 = vector.broadcast %add3A_326 : f32 to vector<16xf32>
    %add3A_328 = arith.addf %sub3A_322, %add3A_327 : vector<16xf32>
    %select_n3A_329 = arith.select %lt3A_325, %add3A_328, %sub3A_322 : vector<16xi1>, vector<16xf32>
    %ge3A_330 = arith.constant 1.000000e+05 : f32
    %ge3A_331 = vector.broadcast %ge3A_330 : f32 to vector<16xf32>
    %ge3A_332 = arith.cmpf oge, %select_n3A_329, %ge3A_331 : vector<16xf32>
    %sub3A_333 = arith.constant 1.000000e+05 : f32
    %sub3A_334 = vector.broadcast %sub3A_333 : f32 to vector<16xf32>
    %sub3A_335 = arith.subf %select_n3A_329, %sub3A_334 : vector<16xf32>
    %select_n3A_336 = arith.select %ge3A_332, %sub3A_335, %select_n3A_329 : vector<16xi1>, vector<16xf32>
    %convert_element_type3A_337 = arith.fptosi %select_n3A_336 : vector<16xf32> to vector<16xi32>
    %swap3A_338 = arith.constant 0 : index
    %swap3A_339 = tpu.vector_load %arg9[%swap3A_338] {strides = array<i32>} : memref<128xi32, #tpu.memory_space<vmem>>, vector<16xi32>,
    %swap3A_340 = vector.shape_cast %swap3A_339 : vector<16xi32> to vector<16xi32>
    %swap3A_341 = vector.shape_cast %convert_element_type3A_337 : vector<16xi32> to vector<16xi32>
    tpu.vector_store %arg9[%swap3A_338], %swap3A_341 {strides = array<i32>} : memref<128xi32, #tpu.memory_space<vmem>>, vector<16xi32>,
    %get3A_342 = arith.constant 16 : index
    %get3A_343 = tpu.vector_load %arg7[%get3A_342] {strides = array<i32>} : memref<128xi32, #tpu.memory_space<vmem>>, vector<16xi32>,
    %get3A_344 = vector.shape_cast %get3A_343 : vector<16xi32> to vector<16xi32>
    %convert_element_type3A_345 = arith.sitofp %get3A_344 : vector<16xi32> to vector<16xf32>
    %mul3A_346 = arith.constant 7.000000e+00 : f32
    %mul3A_347 = vector.broadcast %mul3A_346 : f32 to vector<16xf32>
    %mul3A_348 = arith.mulf %convert_element_type3A_345, %mul3A_347 : vector<16xf32>
    %add3A_349 = arith.constant 0x4A742430 : f32
    %add3A_350 = vector.broadcast %add3A_349 : f32 to vector<16xf32>
    %add3A_351 = arith.addf %mul3A_348, %add3A_350 : vector<16xf32>
    %mul3A_352 = arith.constant 9.99999974E-6 : f32
    %mul3A_353 = vector.broadcast %mul3A_352 : f32 to vector<16xf32>
    %mul3A_354 = arith.mulf %add3A_351, %mul3A_353 : vector<16xf32>
    %convert_element_type3A_355 = arith.fptosi %mul3A_354 : vector<16xf32> to vector<16xi32>
    %convert_element_type3A_356 = arith.sitofp %convert_element_type3A_355 : vector<16xi32> to vector<16xf32>
    %mul3A_357 = arith.constant 1.000000e+05 : f32
    %mul3A_358 = vector.broadcast %mul3A_357 : f32 to vector<16xf32>
    %mul3A_359 = arith.mulf %convert_element_type3A_356, %mul3A_358 : vector<16xf32>
    %sub3A_360 = arith.subf %add3A_351, %mul3A_359 : vector<16xf32>
    %lt3A_361 = arith.constant 0.000000e+00 : f32
    %lt3A_362 = vector.broadcast %lt3A_361 : f32 to vector<16xf32>
    %lt3A_363 = arith.cmpf olt, %sub3A_360, %lt3A_362 : vector<16xf32>
    %add3A_364 = arith.constant 1.000000e+05 : f32
    %add3A_365 = vector.broadcast %add3A_364 : f32 to vector<16xf32>
    %add3A_366 = arith.addf %sub3A_360, %add3A_365 : vector<16xf32>
    %select_n3A_367 = arith.select %lt3A_363, %add3A_366, %sub3A_360 : vector<16xi1>, vector<16xf32>
    %ge3A_368 = arith.constant 1.000000e+05 : f32
    %ge3A_369 = vector.broadcast %ge3A_368 : f32 to vector<16xf32>
    %ge3A_370 = arith.cmpf oge, %select_n3A_367, %ge3A_369 : vector<16xf32>
    %sub3A_371 = arith.constant 1.000000e+05 : f32
    %sub3A_372 = vector.broadcast %sub3A_371 : f32 to vector<16xf32>
    %sub3A_373 = arith.subf %select_n3A_367, %sub3A_372 : vector<16xf32>
    %select_n3A_374 = arith.select %ge3A_370, %sub3A_373, %select_n3A_367 : vector<16xi1>, vector<16xf32>
    %convert_element_type3A_375 = arith.fptosi %select_n3A_374 : vector<16xf32> to vector<16xi32>
    %swap3A_376 = arith.constant 16 : index
    %swap3A_377 = tpu.vector_load %arg9[%swap3A_376] {strides = array<i32>} : memref<128xi32, #tpu.memory_space<vmem>>, vector<16xi32>,
    %swap3A_378 = vector.shape_cast %swap3A_377 : vector<16xi32> to vector<16xi32>
    %swap3A_379 = vector.shape_cast %convert_element_type3A_375 : vector<16xi32> to vector<16xi32>
    tpu.vector_store %arg9[%swap3A_376], %swap3A_379 {strides = array<i32>} : memref<128xi32, #tpu.memory_space<vmem>>, vector<16xi32>,
    %get3A_380 = arith.constant 32 : index
    %get3A_381 = tpu.vector_load %arg7[%get3A_380] {strides = array<i32>} : memref<128xi32, #tpu.memory_space<vmem>>, vector<16xi32>,
    %get3A_382 = vector.shape_cast %get3A_381 : vector<16xi32> to vector<16xi32>
    %convert_element_type3A_383 = arith.sitofp %get3A_382 : vector<16xi32> to vector<16xf32>
    %mul3A_384 = arith.constant 7.000000e+00 : f32
    %mul3A_385 = vector.broadcast %mul3A_384 : f32 to vector<16xf32>
    %mul3A_386 = arith.mulf %convert_element_type3A_383, %mul3A_385 : vector<16xf32>
    %add3A_387 = arith.constant 0x4A742430 : f32
    %add3A_388 = vector.broadcast %add3A_387 : f32 to vector<16xf32>
    %add3A_389 = arith.addf %mul3A_386, %add3A_388 : vector<16xf32>
    %mul3A_390 = arith.constant 9.99999974E-6 : f32
    %mul3A_391 = vector.broadcast %mul3A_390 : f32 to vector<16xf32>
    %mul3A_392 = arith.mulf %add3A_389, %mul3A_391 : vector<16xf32>
    %convert_element_type3A_393 = arith.fptosi %mul3A_392 : vector<16xf32> to vector<16xi32>
    %convert_element_type3A_394 = arith.sitofp %convert_element_type3A_393 : vector<16xi32> to vector<16xf32>
    %mul3A_395 = arith.constant 1.000000e+05 : f32
    %mul3A_396 = vector.broadcast %mul3A_395 : f32 to vector<16xf32>
    %mul3A_397 = arith.mulf %convert_element_type3A_394, %mul3A_396 : vector<16xf32>
    %sub3A_398 = arith.subf %add3A_389, %mul3A_397 : vector<16xf32>
    %lt3A_399 = arith.constant 0.000000e+00 : f32
    %lt3A_400 = vector.broadcast %lt3A_399 : f32 to vector<16xf32>
    %lt3A_401 = arith.cmpf olt, %sub3A_398, %lt3A_400 : vector<16xf32>
    %add3A_402 = arith.constant 1.000000e+05 : f32
    %add3A_403 = vector.broadcast %add3A_402 : f32 to vector<16xf32>
    %add3A_404 = arith.addf %sub3A_398, %add3A_403 : vector<16xf32>
    %select_n3A_405 = arith.select %lt3A_401, %add3A_404, %sub3A_398 : vector<16xi1>, vector<16xf32>
    %ge3A_406 = arith.constant 1.000000e+05 : f32
    %ge3A_407 = vector.broadcast %ge3A_406 : f32 to vector<16xf32>
    %ge3A_408 = arith.cmpf oge, %select_n3A_405, %ge3A_407 : vector<16xf32>
    %sub3A_409 = arith.constant 1.000000e+05 : f32
    %sub3A_410 = vector.broadcast %sub3A_409 : f32 to vector<16xf32>
    %sub3A_411 = arith.subf %select_n3A_405, %sub3A_410 : vector<16xf32>
    %select_n3A_412 = arith.select %ge3A_408, %sub3A_411, %select_n3A_405 : vector<16xi1>, vector<16xf32>
    %convert_element_type3A_413 = arith.fptosi %select_n3A_412 : vector<16xf32> to vector<16xi32>
    %swap3A_414 = arith.constant 32 : index
    %swap3A_415 = tpu.vector_load %arg9[%swap3A_414] {strides = array<i32>} : memref<128xi32, #tpu.memory_space<vmem>>, vector<16xi32>,
    %swap3A_416 = vector.shape_cast %swap3A_415 : vector<16xi32> to vector<16xi32>
    %swap3A_417 = vector.shape_cast %convert_element_type3A_413 : vector<16xi32> to vector<16xi32>
    tpu.vector_store %arg9[%swap3A_414], %swap3A_417 {strides = array<i32>} : memref<128xi32, #tpu.memory_space<vmem>>, vector<16xi32>,
    %get3A_418 = arith.constant 48 : index
    %get3A_419 = tpu.vector_load %arg7[%get3A_418] {strides = array<i32>} : memref<128xi32, #tpu.memory_space<vmem>>, vector<16xi32>,
    %get3A_420 = vector.shape_cast %get3A_419 : vector<16xi32> to vector<16xi32>
    %convert_element_type3A_421 = arith.sitofp %get3A_420 : vector<16xi32> to vector<16xf32>
    %mul3A_422 = arith.constant 7.000000e+00 : f32
    %mul3A_423 = vector.broadcast %mul3A_422 : f32 to vector<16xf32>
    %mul3A_424 = arith.mulf %convert_element_type3A_421, %mul3A_423 : vector<16xf32>
    %add3A_425 = arith.constant 0x4A742430 : f32
    %add3A_426 = vector.broadcast %add3A_425 : f32 to vector<16xf32>
    %add3A_427 = arith.addf %mul3A_424, %add3A_426 : vector<16xf32>
    %mul3A_428 = arith.constant 9.99999974E-6 : f32
    %mul3A_429 = vector.broadcast %mul3A_428 : f32 to vector<16xf32>
    %mul3A_430 = arith.mulf %add3A_427, %mul3A_429 : vector<16xf32>
    %convert_element_type3A_431 = arith.fptosi %mul3A_430 : vector<16xf32> to vector<16xi32>
    %convert_element_type3A_432 = arith.sitofp %convert_element_type3A_431 : vector<16xi32> to vector<16xf32>
    %mul3A_433 = arith.constant 1.000000e+05 : f32
    %mul3A_434 = vector.broadcast %mul3A_433 : f32 to vector<16xf32>
    %mul3A_435 = arith.mulf %convert_element_type3A_432, %mul3A_434 : vector<16xf32>
    %sub3A_436 = arith.subf %add3A_427, %mul3A_435 : vector<16xf32>
    %lt3A_437 = arith.constant 0.000000e+00 : f32
    %lt3A_438 = vector.broadcast %lt3A_437 : f32 to vector<16xf32>
    %lt3A_439 = arith.cmpf olt, %sub3A_436, %lt3A_438 : vector<16xf32>
    %add3A_440 = arith.constant 1.000000e+05 : f32
    %add3A_441 = vector.broadcast %add3A_440 : f32 to vector<16xf32>
    %add3A_442 = arith.addf %sub3A_436, %add3A_441 : vector<16xf32>
    %select_n3A_443 = arith.select %lt3A_439, %add3A_442, %sub3A_436 : vector<16xi1>, vector<16xf32>
    %ge3A_444 = arith.constant 1.000000e+05 : f32
    %ge3A_445 = vector.broadcast %ge3A_444 : f32 to vector<16xf32>
    %ge3A_446 = arith.cmpf oge, %select_n3A_443, %ge3A_445 : vector<16xf32>
    %sub3A_447 = arith.constant 1.000000e+05 : f32
    %sub3A_448 = vector.broadcast %sub3A_447 : f32 to vector<16xf32>
    %sub3A_449 = arith.subf %select_n3A_443, %sub3A_448 : vector<16xf32>
    %select_n3A_450 = arith.select %ge3A_446, %sub3A_449, %select_n3A_443 : vector<16xi1>, vector<16xf32>
    %convert_element_type3A_451 = arith.fptosi %select_n3A_450 : vector<16xf32> to vector<16xi32>
    %swap3A_452 = arith.constant 48 : index
    %swap3A_453 = tpu.vector_load %arg9[%swap3A_452] {strides = array<i32>} : memref<128xi32, #tpu.memory_space<vmem>>, vector<16xi32>,
    %swap3A_454 = vector.shape_cast %swap3A_453 : vector<16xi32> to vector<16xi32>
    %swap3A_455 = vector.shape_cast %convert_element_type3A_451 : vector<16xi32> to vector<16xi32>
    tpu.vector_store %arg9[%swap3A_452], %swap3A_455 {strides = array<i32>} : memref<128xi32, #tpu.memory_space<vmem>>, vector<16xi32>,
    %get3A_456 = arith.constant 64 : index
    %get3A_457 = tpu.vector_load %arg7[%get3A_456] {strides = array<i32>} : memref<128xi32, #tpu.memory_space<vmem>>, vector<16xi32>,
    %get3A_458 = vector.shape_cast %get3A_457 : vector<16xi32> to vector<16xi32>
    %convert_element_type3A_459 = arith.sitofp %get3A_458 : vector<16xi32> to vector<16xf32>
    %mul3A_460 = arith.constant 7.000000e+00 : f32
    %mul3A_461 = vector.broadcast %mul3A_460 : f32 to vector<16xf32>
    %mul3A_462 = arith.mulf %convert_element_type3A_459, %mul3A_461 : vector<16xf32>
    %add3A_463 = arith.constant 0x4A742430 : f32
    %add3A_464 = vector.broadcast %add3A_463 : f32 to vector<16xf32>
    %add3A_465 = arith.addf %mul3A_462, %add3A_464 : vector<16xf32>
    %mul3A_466 = arith.constant 9.99999974E-6 : f32
    %mul3A_467 = vector.broadcast %mul3A_466 : f32 to vector<16xf32>
    %mul3A_468 = arith.mulf %add3A_465, %mul3A_467 : vector<16xf32>
    %convert_element_type3A_469 = arith.fptosi %mul3A_468 : vector<16xf32> to vector<16xi32>
    %convert_element_type3A_470 = arith.sitofp %convert_element_type3A_469 : vector<16xi32> to vector<16xf32>
    %mul3A_471 = arith.constant 1.000000e+05 : f32
    %mul3A_472 = vector.broadcast %mul3A_471 : f32 to vector<16xf32>
    %mul3A_473 = arith.mulf %convert_element_type3A_470, %mul3A_472 : vector<16xf32>
    %sub3A_474 = arith.subf %add3A_465, %mul3A_473 : vector<16xf32>
    %lt3A_475 = arith.constant 0.000000e+00 : f32
    %lt3A_476 = vector.broadcast %lt3A_475 : f32 to vector<16xf32>
    %lt3A_477 = arith.cmpf olt, %sub3A_474, %lt3A_476 : vector<16xf32>
    %add3A_478 = arith.constant 1.000000e+05 : f32
    %add3A_479 = vector.broadcast %add3A_478 : f32 to vector<16xf32>
    %add3A_480 = arith.addf %sub3A_474, %add3A_479 : vector<16xf32>
    %select_n3A_481 = arith.select %lt3A_477, %add3A_480, %sub3A_474 : vector<16xi1>, vector<16xf32>
    %ge3A_482 = arith.constant 1.000000e+05 : f32
    %ge3A_483 = vector.broadcast %ge3A_482 : f32 to vector<16xf32>
    %ge3A_484 = arith.cmpf oge, %select_n3A_481, %ge3A_483 : vector<16xf32>
    %sub3A_485 = arith.constant 1.000000e+05 : f32
    %sub3A_486 = vector.broadcast %sub3A_485 : f32 to vector<16xf32>
    %sub3A_487 = arith.subf %select_n3A_481, %sub3A_486 : vector<16xf32>
    %select_n3A_488 = arith.select %ge3A_484, %sub3A_487, %select_n3A_481 : vector<16xi1>, vector<16xf32>
    %convert_element_type3A_489 = arith.fptosi %select_n3A_488 : vector<16xf32> to vector<16xi32>
    %swap3A_490 = arith.constant 64 : index
    %swap3A_491 = tpu.vector_load %arg9[%swap3A_490] {strides = array<i32>} : memref<128xi32, #tpu.memory_space<vmem>>, vector<16xi32>,
    %swap3A_492 = vector.shape_cast %swap3A_491 : vector<16xi32> to vector<16xi32>
    %swap3A_493 = vector.shape_cast %convert_element_type3A_489 : vector<16xi32> to vector<16xi32>
    tpu.vector_store %arg9[%swap3A_490], %swap3A_493 {strides = array<i32>} : memref<128xi32, #tpu.memory_space<vmem>>, vector<16xi32>,
    %get3A_494 = arith.constant 80 : index
    %get3A_495 = tpu.vector_load %arg7[%get3A_494] {strides = array<i32>} : memref<128xi32, #tpu.memory_space<vmem>>, vector<16xi32>,
    %get3A_496 = vector.shape_cast %get3A_495 : vector<16xi32> to vector<16xi32>
    %convert_element_type3A_497 = arith.sitofp %get3A_496 : vector<16xi32> to vector<16xf32>
    %mul3A_498 = arith.constant 7.000000e+00 : f32
    %mul3A_499 = vector.broadcast %mul3A_498 : f32 to vector<16xf32>
    %mul3A_500 = arith.mulf %convert_element_type3A_497, %mul3A_499 : vector<16xf32>
    %add3A_501 = arith.constant 0x4A742430 : f32
    %add3A_502 = vector.broadcast %add3A_501 : f32 to vector<16xf32>
    %add3A_503 = arith.addf %mul3A_500, %add3A_502 : vector<16xf32>
    %mul3A_504 = arith.constant 9.99999974E-6 : f32
    %mul3A_505 = vector.broadcast %mul3A_504 : f32 to vector<16xf32>
    %mul3A_506 = arith.mulf %add3A_503, %mul3A_505 : vector<16xf32>
    %convert_element_type3A_507 = arith.fptosi %mul3A_506 : vector<16xf32> to vector<16xi32>
    %convert_element_type3A_508 = arith.sitofp %convert_element_type3A_507 : vector<16xi32> to vector<16xf32>
    %mul3A_509 = arith.constant 1.000000e+05 : f32
    %mul3A_510 = vector.broadcast %mul3A_509 : f32 to vector<16xf32>
    %mul3A_511 = arith.mulf %convert_element_type3A_508, %mul3A_510 : vector<16xf32>
    %sub3A_512 = arith.subf %add3A_503, %mul3A_511 : vector<16xf32>
    %lt3A_513 = arith.constant 0.000000e+00 : f32
    %lt3A_514 = vector.broadcast %lt3A_513 : f32 to vector<16xf32>
    %lt3A_515 = arith.cmpf olt, %sub3A_512, %lt3A_514 : vector<16xf32>
    %add3A_516 = arith.constant 1.000000e+05 : f32
    %add3A_517 = vector.broadcast %add3A_516 : f32 to vector<16xf32>
    %add3A_518 = arith.addf %sub3A_512, %add3A_517 : vector<16xf32>
    %select_n3A_519 = arith.select %lt3A_515, %add3A_518, %sub3A_512 : vector<16xi1>, vector<16xf32>
    %ge3A_520 = arith.constant 1.000000e+05 : f32
    %ge3A_521 = vector.broadcast %ge3A_520 : f32 to vector<16xf32>
    %ge3A_522 = arith.cmpf oge, %select_n3A_519, %ge3A_521 : vector<16xf32>
    %sub3A_523 = arith.constant 1.000000e+05 : f32
    %sub3A_524 = vector.broadcast %sub3A_523 : f32 to vector<16xf32>
    %sub3A_525 = arith.subf %select_n3A_519, %sub3A_524 : vector<16xf32>
    %select_n3A_526 = arith.select %ge3A_522, %sub3A_525, %select_n3A_519 : vector<16xi1>, vector<16xf32>
    %convert_element_type3A_527 = arith.fptosi %select_n3A_526 : vector<16xf32> to vector<16xi32>
    %swap3A_528 = arith.constant 80 : index
    %swap3A_529 = tpu.vector_load %arg9[%swap3A_528] {strides = array<i32>} : memref<128xi32, #tpu.memory_space<vmem>>, vector<16xi32>,
    %swap3A_530 = vector.shape_cast %swap3A_529 : vector<16xi32> to vector<16xi32>
    %swap3A_531 = vector.shape_cast %convert_element_type3A_527 : vector<16xi32> to vector<16xi32>
    tpu.vector_store %arg9[%swap3A_528], %swap3A_531 {strides = array<i32>} : memref<128xi32, #tpu.memory_space<vmem>>, vector<16xi32>,
    %get3A_532 = arith.constant 96 : index
    %get3A_533 = tpu.vector_load %arg7[%get3A_532] {strides = array<i32>} : memref<128xi32, #tpu.memory_space<vmem>>, vector<16xi32>,
    %get3A_534 = vector.shape_cast %get3A_533 : vector<16xi32> to vector<16xi32>
    %convert_element_type3A_535 = arith.sitofp %get3A_534 : vector<16xi32> to vector<16xf32>
    %mul3A_536 = arith.constant 7.000000e+00 : f32
    %mul3A_537 = vector.broadcast %mul3A_536 : f32 to vector<16xf32>
    %mul3A_538 = arith.mulf %convert_element_type3A_535, %mul3A_537 : vector<16xf32>
    %add3A_539 = arith.constant 0x4A742430 : f32
    %add3A_540 = vector.broadcast %add3A_539 : f32 to vector<16xf32>
    %add3A_541 = arith.addf %mul3A_538, %add3A_540 : vector<16xf32>
    %mul3A_542 = arith.constant 9.99999974E-6 : f32
    %mul3A_543 = vector.broadcast %mul3A_542 : f32 to vector<16xf32>
    %mul3A_544 = arith.mulf %add3A_541, %mul3A_543 : vector<16xf32>
    %convert_element_type3A_545 = arith.fptosi %mul3A_544 : vector<16xf32> to vector<16xi32>
    %convert_element_type3A_546 = arith.sitofp %convert_element_type3A_545 : vector<16xi32> to vector<16xf32>
    %mul3A_547 = arith.constant 1.000000e+05 : f32
    %mul3A_548 = vector.broadcast %mul3A_547 : f32 to vector<16xf32>
    %mul3A_549 = arith.mulf %convert_element_type3A_546, %mul3A_548 : vector<16xf32>
    %sub3A_550 = arith.subf %add3A_541, %mul3A_549 : vector<16xf32>
    %lt3A_551 = arith.constant 0.000000e+00 : f32
    %lt3A_552 = vector.broadcast %lt3A_551 : f32 to vector<16xf32>
    %lt3A_553 = arith.cmpf olt, %sub3A_550, %lt3A_552 : vector<16xf32>
    %add3A_554 = arith.constant 1.000000e+05 : f32
    %add3A_555 = vector.broadcast %add3A_554 : f32 to vector<16xf32>
    %add3A_556 = arith.addf %sub3A_550, %add3A_555 : vector<16xf32>
    %select_n3A_557 = arith.select %lt3A_553, %add3A_556, %sub3A_550 : vector<16xi1>, vector<16xf32>
    %ge3A_558 = arith.constant 1.000000e+05 : f32
    %ge3A_559 = vector.broadcast %ge3A_558 : f32 to vector<16xf32>
    %ge3A_560 = arith.cmpf oge, %select_n3A_557, %ge3A_559 : vector<16xf32>
    %sub3A_561 = arith.constant 1.000000e+05 : f32
    %sub3A_562 = vector.broadcast %sub3A_561 : f32 to vector<16xf32>
    %sub3A_563 = arith.subf %select_n3A_557, %sub3A_562 : vector<16xf32>
    %select_n3A_564 = arith.select %ge3A_560, %sub3A_563, %select_n3A_557 : vector<16xi1>, vector<16xf32>
    %convert_element_type3A_565 = arith.fptosi %select_n3A_564 : vector<16xf32> to vector<16xi32>
    %swap3A_566 = arith.constant 96 : index
    %swap3A_567 = tpu.vector_load %arg9[%swap3A_566] {strides = array<i32>} : memref<128xi32, #tpu.memory_space<vmem>>, vector<16xi32>,
    %swap3A_568 = vector.shape_cast %swap3A_567 : vector<16xi32> to vector<16xi32>
    %swap3A_569 = vector.shape_cast %convert_element_type3A_565 : vector<16xi32> to vector<16xi32>
    tpu.vector_store %arg9[%swap3A_566], %swap3A_569 {strides = array<i32>} : memref<128xi32, #tpu.memory_space<vmem>>, vector<16xi32>,
    %get3A_570 = arith.constant 112 : index
    %get3A_571 = tpu.vector_load %arg7[%get3A_570] {strides = array<i32>} : memref<128xi32, #tpu.memory_space<vmem>>, vector<16xi32>,
    %get3A_572 = vector.shape_cast %get3A_571 : vector<16xi32> to vector<16xi32>
    %convert_element_type3A_573 = arith.sitofp %get3A_572 : vector<16xi32> to vector<16xf32>
    %mul3A_574 = arith.constant 7.000000e+00 : f32
    %mul3A_575 = vector.broadcast %mul3A_574 : f32 to vector<16xf32>
    %mul3A_576 = arith.mulf %convert_element_type3A_573, %mul3A_575 : vector<16xf32>
    %add3A_577 = arith.constant 0x4A742430 : f32
    %add3A_578 = vector.broadcast %add3A_577 : f32 to vector<16xf32>
    %add3A_579 = arith.addf %mul3A_576, %add3A_578 : vector<16xf32>
    %mul3A_580 = arith.constant 9.99999974E-6 : f32
    %mul3A_581 = vector.broadcast %mul3A_580 : f32 to vector<16xf32>
    %mul3A_582 = arith.mulf %add3A_579, %mul3A_581 : vector<16xf32>
    %convert_element_type3A_583 = arith.fptosi %mul3A_582 : vector<16xf32> to vector<16xi32>
    %convert_element_type3A_584 = arith.sitofp %convert_element_type3A_583 : vector<16xi32> to vector<16xf32>
    %mul3A_585 = arith.constant 1.000000e+05 : f32
    %mul3A_586 = vector.broadcast %mul3A_585 : f32 to vector<16xf32>
    %mul3A_587 = arith.mulf %convert_element_type3A_584, %mul3A_586 : vector<16xf32>
    %sub3A_588 = arith.subf %add3A_579, %mul3A_587 : vector<16xf32>
    %lt3A_589 = arith.constant 0.000000e+00 : f32
    %lt3A_590 = vector.broadcast %lt3A_589 : f32 to vector<16xf32>
    %lt3A_591 = arith.cmpf olt, %sub3A_588, %lt3A_590 : vector<16xf32>
    %add3A_592 = arith.constant 1.000000e+05 : f32
    %add3A_593 = vector.broadcast %add3A_592 : f32 to vector<16xf32>
    %add3A_594 = arith.addf %sub3A_588, %add3A_593 : vector<16xf32>
    %select_n3A_595 = arith.select %lt3A_591, %add3A_594, %sub3A_588 : vector<16xi1>, vector<16xf32>
    %ge3A_596 = arith.constant 1.000000e+05 : f32
    %ge3A_597 = vector.broadcast %ge3A_596 : f32 to vector<16xf32>
    %ge3A_598 = arith.cmpf oge, %select_n3A_595, %ge3A_597 : vector<16xf32>
    %sub3A_599 = arith.constant 1.000000e+05 : f32
    %sub3A_600 = vector.broadcast %sub3A_599 : f32 to vector<16xf32>
    %sub3A_601 = arith.subf %select_n3A_595, %sub3A_600 : vector<16xf32>
    %select_n3A_602 = arith.select %ge3A_598, %sub3A_601, %select_n3A_595 : vector<16xi1>, vector<16xf32>
    %convert_element_type3A_603 = arith.fptosi %select_n3A_602 : vector<16xf32> to vector<16xi32>
    %swap3A_604 = arith.constant 112 : index
    %swap3A_605 = tpu.vector_load %arg9[%swap3A_604] {strides = array<i32>} : memref<128xi32, #tpu.memory_space<vmem>>, vector<16xi32>,
    %swap3A_606 = vector.shape_cast %swap3A_605 : vector<16xi32> to vector<16xi32>
    %swap3A_607 = vector.shape_cast %convert_element_type3A_603 : vector<16xi32> to vector<16xi32>
    tpu.vector_store %arg9[%swap3A_604], %swap3A_607 {strides = array<i32>} : memref<128xi32, #tpu.memory_space<vmem>>, vector<16xi32>,
    %dma_start3A_608 = arith.constant 0 : i32
    %dma_start3A_609 = tpu.memref_slice %arg9[%dma_start3A_608] : memref<128xi32, #tpu.memory_space<vmem>> -> memref<128xi32, #tpu.memory_space<vmem>>
    %dma_start3A_610 = arith.constant 0 : i32
    %dma_start3A_611 = arith.constant 0 : i32
    %dma_start3A_612 = tpu.memref_slice %arg4[%dma_start3A_610, %dma_start3A_611] : memref<100000x128xf32, #tpu.memory_space<hbm>> -> memref<100000x128xf32, #tpu.memory_space<hbm>>
    tpu.enqueue_indirect_dma source(%dma_start3A_612 : memref<100000x128xf32, #tpu.memory_space<hbm>>) target(%arg11 : memref<128x128xf32, #tpu.memory_space<vmem>>) offsets(%dma_start3A_609 : memref<128xi32, #tpu.memory_space<vmem>>) semaphore(%arg13 : memref<!tpu.dma_semaphore, #tpu.memory_space<semaphore_mem>>)
    "tpu.region"() ({
      %run_scoped3A = tpu.sem_alloc : memref<!tpu.dma_semaphore, #tpu.memory_space<semaphore_mem>>
      %dma_start3A_657 = arith.constant 0 : i32
      %dma_start3A_658 = tpu.memref_slice %arg12[%dma_start3A_657] : memref<16xf32, #tpu.memory_space<vmem>> -> memref<2xf32, #tpu.memory_space<vmem>>
      %dma_start3A_659 = arith.constant 0 : i32
      %dma_start3A_660 = tpu.memref_slice %arg12[%dma_start3A_659] : memref<16xf32, #tpu.memory_space<vmem>> -> memref<2xf32, #tpu.memory_space<vmem>>
      tpu.enqueue_dma source(%arg5 : memref<2xf32, #tpu.memory_space<hbm>>) target(%dma_start3A_660 : memref<2xf32, #tpu.memory_space<vmem>>) target_semaphore(%run_scoped3A : memref<!tpu.dma_semaphore, #tpu.memory_space<semaphore_mem>>)
      %dma_wait3A_661 = arith.constant 0 : i32
      %dma_wait3A_662 = tpu.memref_slice %arg12[%dma_wait3A_661] : memref<16xf32, #tpu.memory_space<vmem>> -> memref<2xf32, #tpu.memory_space<vmem>>
      %dma_wait3A_663 = arith.constant 0 : i32
      %dma_wait3A_664 = tpu.memref_slice %arg12[%dma_wait3A_663] : memref<16xf32, #tpu.memory_space<vmem>> -> memref<2xf32, #tpu.memory_space<vmem>>
      tpu.wait_dma2 semaphore(%run_scoped3A : memref<!tpu.dma_semaphore, #tpu.memory_space<semaphore_mem>>) src(%arg5 : memref<2xf32, #tpu.memory_space<hbm>>) dst(%dma_wait3A_664 : memref<2xf32, #tpu.memory_space<vmem>>)
      tpu.yield
    }) : () -> ()
    %get3A_613 = arith.constant 0 : index
    %get3A_614 = tpu.vector_load %arg12[%get3A_613] {strides = array<i32>} : memref<16xf32, #tpu.memory_space<vmem>>, vector<16xf32>,
    %get3A_615 = vector.shape_cast %get3A_614 : vector<16xf32> to vector<16xf32>
    %slice3A = vector.extract_strided_slice %get3A_615 {offsets = [0], sizes = [1], strides = [1]} : vector<16xf32> to vector<1xf32>
    %squeeze3A = vector.extract %slice3A[0] : f32 from vector<1xf32>
    %broadcast_in_dim3A = vector.broadcast %squeeze3A : f32 to vector<16xf32>
    %slice3A_616 = vector.extract_strided_slice %get3A_615 {offsets = [1], sizes = [1], strides = [1]} : vector<16xf32> to vector<1xf32>
    %squeeze3A_617 = vector.extract %slice3A_616[0] : f32 from vector<1xf32>
    %broadcast_in_dim3A_618 = vector.broadcast %squeeze3A_617 : f32 to vector<16xf32>
    %add3A_619 = arith.addf %broadcast_in_dim3A, %broadcast_in_dim3A_618 : vector<16xf32>
    %div3A = arith.constant 1.000000e+00 : f32
    %div3A_620 = vector.broadcast %div3A : f32 to vector<16xf32>
    %div3A_621 = arith.divf %div3A_620, %add3A_619 : vector<16xf32>
    %mul3A_622 = arith.mulf %broadcast_in_dim3A, %div3A_621 : vector<16xf32>
    %mul3A_623 = arith.mulf %broadcast_in_dim3A_618, %div3A_621 : vector<16xf32>
    %dma_wait3A = arith.constant 0 : i32
    %dma_wait3A_624 = tpu.memref_slice %arg8[%dma_wait3A] : memref<128xi32, #tpu.memory_space<vmem>> -> memref<128xi32, #tpu.memory_space<vmem>>
    %dma_wait3A_625 = arith.constant 0 : i32
    %dma_wait3A_626 = arith.constant 0 : i32
    %dma_wait3A_627 = tpu.memref_slice %arg3[%dma_wait3A_625, %dma_wait3A_626] : memref<100000x128xf32, #tpu.memory_space<hbm>> -> memref<100000x128xf32, #tpu.memory_space<hbm>>
    tpu.wait_indirect_dma semaphore(%arg13 : memref<!tpu.dma_semaphore, #tpu.memory_space<semaphore_mem>>) src(%dma_wait3A_627 : memref<100000x128xf32, #tpu.memory_space<hbm>>) dst(%arg10 : memref<128x128xf32, #tpu.memory_space<vmem>>)
    %dma_wait3A_628 = arith.constant 0 : i32
    %dma_wait3A_629 = tpu.memref_slice %arg9[%dma_wait3A_628] : memref<128xi32, #tpu.memory_space<vmem>> -> memref<128xi32, #tpu.memory_space<vmem>>
    %dma_wait3A_630 = arith.constant 0 : i32
    %dma_wait3A_631 = arith.constant 0 : i32
    %dma_wait3A_632 = tpu.memref_slice %arg4[%dma_wait3A_630, %dma_wait3A_631] : memref<100000x128xf32, #tpu.memory_space<hbm>> -> memref<100000x128xf32, #tpu.memory_space<hbm>>
    tpu.wait_indirect_dma semaphore(%arg13 : memref<!tpu.dma_semaphore, #tpu.memory_space<semaphore_mem>>) src(%dma_wait3A_632 : memref<100000x128xf32, #tpu.memory_space<hbm>>) dst(%arg11 : memref<128x128xf32, #tpu.memory_space<vmem>>)
    %parallel_loop3A = arith.constant 0 : i32
    %parallel_loop3A_633 = arith.constant 128 : i32
    %parallel_loop3A_634 = arith.constant 1 : i32
    scf.for %parallel_loop3A_657 = %parallel_loop3A to %parallel_loop3A_633 step %parallel_loop3A_634  : i32 {
      %parallel_loop3A_658 = arith.index_cast %parallel_loop3A_657 : i32 to index
      %parallel_loop3A_659 = arith.constant 0 : index
      %parallel_loop3A_660 = tpu.vector_load %arg10[%parallel_loop3A_658, %parallel_loop3A_659] {strides = array<i32>} : memref<128x128xf32, #tpu.memory_space<vmem>>, vector<1x16xf32>,
      %parallel_loop3A_661 = vector.shape_cast %parallel_loop3A_660 : vector<1x16xf32> to vector<16xf32>
      %parallel_loop3A_662 = arith.mulf %parallel_loop3A_661, %mul3A_622 : vector<16xf32>
      %parallel_loop3A_663 = arith.index_cast %parallel_loop3A_657 : i32 to index
      %parallel_loop3A_664 = arith.constant 0 : index
      %parallel_loop3A_665 = tpu.vector_load %arg11[%parallel_loop3A_663, %parallel_loop3A_664] {strides = array<i32>} : memref<128x128xf32, #tpu.memory_space<vmem>>, vector<1x16xf32>,
      %parallel_loop3A_666 = vector.shape_cast %parallel_loop3A_665 : vector<1x16xf32> to vector<16xf32>
      %parallel_loop3A_667 = arith.mulf %parallel_loop3A_666, %mul3A_623 : vector<16xf32>
      %parallel_loop3A_668 = arith.addf %parallel_loop3A_662, %parallel_loop3A_667 : vector<16xf32>
      %parallel_loop3A_669 = arith.index_cast %parallel_loop3A_657 : i32 to index
      %parallel_loop3A_670 = arith.constant 0 : index
      %parallel_loop3A_671 = tpu.vector_load %arg10[%parallel_loop3A_669, %parallel_loop3A_670] {strides = array<i32>} : memref<128x128xf32, #tpu.memory_space<vmem>>, vector<1x16xf32>,
      %parallel_loop3A_672 = vector.shape_cast %parallel_loop3A_671 : vector<1x16xf32> to vector<16xf32>
      %parallel_loop3A_673 = vector.shape_cast %parallel_loop3A_668 : vector<16xf32> to vector<1x16xf32>
      tpu.vector_store %arg10[%parallel_loop3A_669, %parallel_loop3A_670], %parallel_loop3A_673 {strides = array<i32>} : memref<128x128xf32, #tpu.memory_space<vmem>>, vector<1x16xf32>,
      %parallel_loop3A_674 = arith.index_cast %parallel_loop3A_657 : i32 to index
      %parallel_loop3A_675 = arith.constant 16 : index
      %parallel_loop3A_676 = tpu.vector_load %arg10[%parallel_loop3A_674, %parallel_loop3A_675] {strides = array<i32>} : memref<128x128xf32, #tpu.memory_space<vmem>>, vector<1x16xf32>,
      %parallel_loop3A_677 = vector.shape_cast %parallel_loop3A_676 : vector<1x16xf32> to vector<16xf32>
      %parallel_loop3A_678 = arith.mulf %parallel_loop3A_677, %mul3A_622 : vector<16xf32>
      %parallel_loop3A_679 = arith.index_cast %parallel_loop3A_657 : i32 to index
      %parallel_loop3A_680 = arith.constant 16 : index
      %parallel_loop3A_681 = tpu.vector_load %arg11[%parallel_loop3A_679, %parallel_loop3A_680] {strides = array<i32>} : memref<128x128xf32, #tpu.memory_space<vmem>>, vector<1x16xf32>,
      %parallel_loop3A_682 = vector.shape_cast %parallel_loop3A_681 : vector<1x16xf32> to vector<16xf32>
      %parallel_loop3A_683 = arith.mulf %parallel_loop3A_682, %mul3A_623 : vector<16xf32>
      %parallel_loop3A_684 = arith.addf %parallel_loop3A_678, %parallel_loop3A_683 : vector<16xf32>
      %parallel_loop3A_685 = arith.index_cast %parallel_loop3A_657 : i32 to index
      %parallel_loop3A_686 = arith.constant 16 : index
      %parallel_loop3A_687 = tpu.vector_load %arg10[%parallel_loop3A_685, %parallel_loop3A_686] {strides = array<i32>} : memref<128x128xf32, #tpu.memory_space<vmem>>, vector<1x16xf32>,
      %parallel_loop3A_688 = vector.shape_cast %parallel_loop3A_687 : vector<1x16xf32> to vector<16xf32>
      %parallel_loop3A_689 = vector.shape_cast %parallel_loop3A_684 : vector<16xf32> to vector<1x16xf32>
      tpu.vector_store %arg10[%parallel_loop3A_685, %parallel_loop3A_686], %parallel_loop3A_689 {strides = array<i32>} : memref<128x128xf32, #tpu.memory_space<vmem>>, vector<1x16xf32>,
      %parallel_loop3A_690 = arith.index_cast %parallel_loop3A_657 : i32 to index
      %parallel_loop3A_691 = arith.constant 32 : index
      %parallel_loop3A_692 = tpu.vector_load %arg10[%parallel_loop3A_690, %parallel_loop3A_691] {strides = array<i32>} : memref<128x128xf32, #tpu.memory_space<vmem>>, vector<1x16xf32>,
      %parallel_loop3A_693 = vector.shape_cast %parallel_loop3A_692 : vector<1x16xf32> to vector<16xf32>
      %parallel_loop3A_694 = arith.mulf %parallel_loop3A_693, %mul3A_622 : vector<16xf32>
      %parallel_loop3A_695 = arith.index_cast %parallel_loop3A_657 : i32 to index
      %parallel_loop3A_696 = arith.constant 32 : index
      %parallel_loop3A_697 = tpu.vector_load %arg11[%parallel_loop3A_695, %parallel_loop3A_696] {strides = array<i32>} : memref<128x128xf32, #tpu.memory_space<vmem>>, vector<1x16xf32>,
      %parallel_loop3A_698 = vector.shape_cast %parallel_loop3A_697 : vector<1x16xf32> to vector<16xf32>
      %parallel_loop3A_699 = arith.mulf %parallel_loop3A_698, %mul3A_623 : vector<16xf32>
      %parallel_loop3A_700 = arith.addf %parallel_loop3A_694, %parallel_loop3A_699 : vector<16xf32>
      %parallel_loop3A_701 = arith.index_cast %parallel_loop3A_657 : i32 to index
      %parallel_loop3A_702 = arith.constant 32 : index
      %parallel_loop3A_703 = tpu.vector_load %arg10[%parallel_loop3A_701, %parallel_loop3A_702] {strides = array<i32>} : memref<128x128xf32, #tpu.memory_space<vmem>>, vector<1x16xf32>,
      %parallel_loop3A_704 = vector.shape_cast %parallel_loop3A_703 : vector<1x16xf32> to vector<16xf32>
      %parallel_loop3A_705 = vector.shape_cast %parallel_loop3A_700 : vector<16xf32> to vector<1x16xf32>
      tpu.vector_store %arg10[%parallel_loop3A_701, %parallel_loop3A_702], %parallel_loop3A_705 {strides = array<i32>} : memref<128x128xf32, #tpu.memory_space<vmem>>, vector<1x16xf32>,
      %parallel_loop3A_706 = arith.index_cast %parallel_loop3A_657 : i32 to index
      %parallel_loop3A_707 = arith.constant 48 : index
      %parallel_loop3A_708 = tpu.vector_load %arg10[%parallel_loop3A_706, %parallel_loop3A_707] {strides = array<i32>} : memref<128x128xf32, #tpu.memory_space<vmem>>, vector<1x16xf32>,
      %parallel_loop3A_709 = vector.shape_cast %parallel_loop3A_708 : vector<1x16xf32> to vector<16xf32>
      %parallel_loop3A_710 = arith.mulf %parallel_loop3A_709, %mul3A_622 : vector<16xf32>
      %parallel_loop3A_711 = arith.index_cast %parallel_loop3A_657 : i32 to index
      %parallel_loop3A_712 = arith.constant 48 : index
      %parallel_loop3A_713 = tpu.vector_load %arg11[%parallel_loop3A_711, %parallel_loop3A_712] {strides = array<i32>} : memref<128x128xf32, #tpu.memory_space<vmem>>, vector<1x16xf32>,
      %parallel_loop3A_714 = vector.shape_cast %parallel_loop3A_713 : vector<1x16xf32> to vector<16xf32>
      %parallel_loop3A_715 = arith.mulf %parallel_loop3A_714, %mul3A_623 : vector<16xf32>
      %parallel_loop3A_716 = arith.addf %parallel_loop3A_710, %parallel_loop3A_715 : vector<16xf32>
      %parallel_loop3A_717 = arith.index_cast %parallel_loop3A_657 : i32 to index
      %parallel_loop3A_718 = arith.constant 48 : index
      %parallel_loop3A_719 = tpu.vector_load %arg10[%parallel_loop3A_717, %parallel_loop3A_718] {strides = array<i32>} : memref<128x128xf32, #tpu.memory_space<vmem>>, vector<1x16xf32>,
      %parallel_loop3A_720 = vector.shape_cast %parallel_loop3A_719 : vector<1x16xf32> to vector<16xf32>
      %parallel_loop3A_721 = vector.shape_cast %parallel_loop3A_716 : vector<16xf32> to vector<1x16xf32>
      tpu.vector_store %arg10[%parallel_loop3A_717, %parallel_loop3A_718], %parallel_loop3A_721 {strides = array<i32>} : memref<128x128xf32, #tpu.memory_space<vmem>>, vector<1x16xf32>,
      %parallel_loop3A_722 = arith.index_cast %parallel_loop3A_657 : i32 to index
      %parallel_loop3A_723 = arith.constant 64 : index
      %parallel_loop3A_724 = tpu.vector_load %arg10[%parallel_loop3A_722, %parallel_loop3A_723] {strides = array<i32>} : memref<128x128xf32, #tpu.memory_space<vmem>>, vector<1x16xf32>,
      %parallel_loop3A_725 = vector.shape_cast %parallel_loop3A_724 : vector<1x16xf32> to vector<16xf32>
      %parallel_loop3A_726 = arith.mulf %parallel_loop3A_725, %mul3A_622 : vector<16xf32>
      %parallel_loop3A_727 = arith.index_cast %parallel_loop3A_657 : i32 to index
      %parallel_loop3A_728 = arith.constant 64 : index
      %parallel_loop3A_729 = tpu.vector_load %arg11[%parallel_loop3A_727, %parallel_loop3A_728] {strides = array<i32>} : memref<128x128xf32, #tpu.memory_space<vmem>>, vector<1x16xf32>,
      %parallel_loop3A_730 = vector.shape_cast %parallel_loop3A_729 : vector<1x16xf32> to vector<16xf32>
      %parallel_loop3A_731 = arith.mulf %parallel_loop3A_730, %mul3A_623 : vector<16xf32>
      %parallel_loop3A_732 = arith.addf %parallel_loop3A_726, %parallel_loop3A_731 : vector<16xf32>
      %parallel_loop3A_733 = arith.index_cast %parallel_loop3A_657 : i32 to index
      %parallel_loop3A_734 = arith.constant 64 : index
      %parallel_loop3A_735 = tpu.vector_load %arg10[%parallel_loop3A_733, %parallel_loop3A_734] {strides = array<i32>} : memref<128x128xf32, #tpu.memory_space<vmem>>, vector<1x16xf32>,
      %parallel_loop3A_736 = vector.shape_cast %parallel_loop3A_735 : vector<1x16xf32> to vector<16xf32>
      %parallel_loop3A_737 = vector.shape_cast %parallel_loop3A_732 : vector<16xf32> to vector<1x16xf32>
      tpu.vector_store %arg10[%parallel_loop3A_733, %parallel_loop3A_734], %parallel_loop3A_737 {strides = array<i32>} : memref<128x128xf32, #tpu.memory_space<vmem>>, vector<1x16xf32>,
      %parallel_loop3A_738 = arith.index_cast %parallel_loop3A_657 : i32 to index
      %parallel_loop3A_739 = arith.constant 80 : index
      %parallel_loop3A_740 = tpu.vector_load %arg10[%parallel_loop3A_738, %parallel_loop3A_739] {strides = array<i32>} : memref<128x128xf32, #tpu.memory_space<vmem>>, vector<1x16xf32>,
      %parallel_loop3A_741 = vector.shape_cast %parallel_loop3A_740 : vector<1x16xf32> to vector<16xf32>
      %parallel_loop3A_742 = arith.mulf %parallel_loop3A_741, %mul3A_622 : vector<16xf32>
      %parallel_loop3A_743 = arith.index_cast %parallel_loop3A_657 : i32 to index
      %parallel_loop3A_744 = arith.constant 80 : index
      %parallel_loop3A_745 = tpu.vector_load %arg11[%parallel_loop3A_743, %parallel_loop3A_744] {strides = array<i32>} : memref<128x128xf32, #tpu.memory_space<vmem>>, vector<1x16xf32>,
      %parallel_loop3A_746 = vector.shape_cast %parallel_loop3A_745 : vector<1x16xf32> to vector<16xf32>
      %parallel_loop3A_747 = arith.mulf %parallel_loop3A_746, %mul3A_623 : vector<16xf32>
      %parallel_loop3A_748 = arith.addf %parallel_loop3A_742, %parallel_loop3A_747 : vector<16xf32>
      %parallel_loop3A_749 = arith.index_cast %parallel_loop3A_657 : i32 to index
      %parallel_loop3A_750 = arith.constant 80 : index
      %parallel_loop3A_751 = tpu.vector_load %arg10[%parallel_loop3A_749, %parallel_loop3A_750] {strides = array<i32>} : memref<128x128xf32, #tpu.memory_space<vmem>>, vector<1x16xf32>,
      %parallel_loop3A_752 = vector.shape_cast %parallel_loop3A_751 : vector<1x16xf32> to vector<16xf32>
      %parallel_loop3A_753 = vector.shape_cast %parallel_loop3A_748 : vector<16xf32> to vector<1x16xf32>
      tpu.vector_store %arg10[%parallel_loop3A_749, %parallel_loop3A_750], %parallel_loop3A_753 {strides = array<i32>} : memref<128x128xf32, #tpu.memory_space<vmem>>, vector<1x16xf32>,
      %parallel_loop3A_754 = arith.index_cast %parallel_loop3A_657 : i32 to index
      %parallel_loop3A_755 = arith.constant 96 : index
      %parallel_loop3A_756 = tpu.vector_load %arg10[%parallel_loop3A_754, %parallel_loop3A_755] {strides = array<i32>} : memref<128x128xf32, #tpu.memory_space<vmem>>, vector<1x16xf32>,
      %parallel_loop3A_757 = vector.shape_cast %parallel_loop3A_756 : vector<1x16xf32> to vector<16xf32>
      %parallel_loop3A_758 = arith.mulf %parallel_loop3A_757, %mul3A_622 : vector<16xf32>
      %parallel_loop3A_759 = arith.index_cast %parallel_loop3A_657 : i32 to index
      %parallel_loop3A_760 = arith.constant 96 : index
      %parallel_loop3A_761 = tpu.vector_load %arg11[%parallel_loop3A_759, %parallel_loop3A_760] {strides = array<i32>} : memref<128x128xf32, #tpu.memory_space<vmem>>, vector<1x16xf32>,
      %parallel_loop3A_762 = vector.shape_cast %parallel_loop3A_761 : vector<1x16xf32> to vector<16xf32>
      %parallel_loop3A_763 = arith.mulf %parallel_loop3A_762, %mul3A_623 : vector<16xf32>
      %parallel_loop3A_764 = arith.addf %parallel_loop3A_758, %parallel_loop3A_763 : vector<16xf32>
      %parallel_loop3A_765 = arith.index_cast %parallel_loop3A_657 : i32 to index
      %parallel_loop3A_766 = arith.constant 96 : index
      %parallel_loop3A_767 = tpu.vector_load %arg10[%parallel_loop3A_765, %parallel_loop3A_766] {strides = array<i32>} : memref<128x128xf32, #tpu.memory_space<vmem>>, vector<1x16xf32>,
      %parallel_loop3A_768 = vector.shape_cast %parallel_loop3A_767 : vector<1x16xf32> to vector<16xf32>
      %parallel_loop3A_769 = vector.shape_cast %parallel_loop3A_764 : vector<16xf32> to vector<1x16xf32>
      tpu.vector_store %arg10[%parallel_loop3A_765, %parallel_loop3A_766], %parallel_loop3A_769 {strides = array<i32>} : memref<128x128xf32, #tpu.memory_space<vmem>>, vector<1x16xf32>,
      %parallel_loop3A_770 = arith.index_cast %parallel_loop3A_657 : i32 to index
      %parallel_loop3A_771 = arith.constant 112 : index
      %parallel_loop3A_772 = tpu.vector_load %arg10[%parallel_loop3A_770, %parallel_loop3A_771] {strides = array<i32>} : memref<128x128xf32, #tpu.memory_space<vmem>>, vector<1x16xf32>,
      %parallel_loop3A_773 = vector.shape_cast %parallel_loop3A_772 : vector<1x16xf32> to vector<16xf32>
      %parallel_loop3A_774 = arith.mulf %parallel_loop3A_773, %mul3A_622 : vector<16xf32>
      %parallel_loop3A_775 = arith.index_cast %parallel_loop3A_657 : i32 to index
      %parallel_loop3A_776 = arith.constant 112 : index
      %parallel_loop3A_777 = tpu.vector_load %arg11[%parallel_loop3A_775, %parallel_loop3A_776] {strides = array<i32>} : memref<128x128xf32, #tpu.memory_space<vmem>>, vector<1x16xf32>,
      %parallel_loop3A_778 = vector.shape_cast %parallel_loop3A_777 : vector<1x16xf32> to vector<16xf32>
      %parallel_loop3A_779 = arith.mulf %parallel_loop3A_778, %mul3A_623 : vector<16xf32>
      %parallel_loop3A_780 = arith.addf %parallel_loop3A_774, %parallel_loop3A_779 : vector<16xf32>
      %parallel_loop3A_781 = arith.index_cast %parallel_loop3A_657 : i32 to index
      %parallel_loop3A_782 = arith.constant 112 : index
      %parallel_loop3A_783 = tpu.vector_load %arg10[%parallel_loop3A_781, %parallel_loop3A_782] {strides = array<i32>} : memref<128x128xf32, #tpu.memory_space<vmem>>, vector<1x16xf32>,
      %parallel_loop3A_784 = vector.shape_cast %parallel_loop3A_783 : vector<1x16xf32> to vector<16xf32>
      %parallel_loop3A_785 = vector.shape_cast %parallel_loop3A_780 : vector<16xf32> to vector<1x16xf32>
      tpu.vector_store %arg10[%parallel_loop3A_781, %parallel_loop3A_782], %parallel_loop3A_785 {strides = array<i32>} : memref<128x128xf32, #tpu.memory_space<vmem>>, vector<1x16xf32>,
    } {sc.loop_unroll_factor = 4 : i64, sc.parallel_access}
    %add3A_635 = arith.constant 0 : i32
    %add3A_636 = arith.addi %mul3A_2, %add3A_635 : i32
    %dma_start3A_637 = arith.constant 0 : i32
    %dma_start3A_638 = arith.constant 0 : i32
    %dma_start3A_639 = tpu.memref_slice %arg10[%dma_start3A_637, %dma_start3A_638] : memref<128x128xf32, #tpu.memory_space<vmem>> -> memref<128x128xf32, #tpu.memory_space<vmem>>
    %dma_start3A_640 = arith.constant 0 : i32
    %dma_start3A_641 = tpu.memref_slice %arg6[%add3A_636, %dma_start3A_640] : memref<4096x128xf32, #tpu.memory_space<hbm>> -> memref<128x128xf32, #tpu.memory_space<hbm>>
    %dma_start3A_642 = arith.constant 0 : i32
    %dma_start3A_643 = tpu.memref_slice %arg6[%add3A_636, %dma_start3A_642] : memref<4096x128xf32, #tpu.memory_space<hbm>> -> memref<128x128xf32, #tpu.memory_space<hbm>>
    %dma_start3A_644 = arith.constant 0 : i32
    %dma_start3A_645 = arith.constant 0 : i32
    %dma_start3A_646 = tpu.memref_slice %arg10[%dma_start3A_644, %dma_start3A_645] : memref<128x128xf32, #tpu.memory_space<vmem>> -> memref<128x128xf32, #tpu.memory_space<vmem>>
    tpu.enqueue_dma source(%dma_start3A_646 : memref<128x128xf32, #tpu.memory_space<vmem>>) target(%dma_start3A_643 : memref<128x128xf32, #tpu.memory_space<hbm>>) target_semaphore(%arg14 : memref<!tpu.dma_semaphore, #tpu.memory_space<semaphore_mem>>)
    %dma_wait3A_647 = arith.constant 0 : i32
    %dma_wait3A_648 = arith.constant 0 : i32
    %dma_wait3A_649 = tpu.memref_slice %arg10[%dma_wait3A_647, %dma_wait3A_648] : memref<128x128xf32, #tpu.memory_space<vmem>> -> memref<128x128xf32, #tpu.memory_space<vmem>>
    %dma_wait3A_650 = arith.constant 0 : i32
    %dma_wait3A_651 = tpu.memref_slice %arg6[%add3A_636, %dma_wait3A_650] : memref<4096x128xf32, #tpu.memory_space<hbm>> -> memref<128x128xf32, #tpu.memory_space<hbm>>
    %dma_wait3A_652 = arith.constant 0 : i32
    %dma_wait3A_653 = tpu.memref_slice %arg6[%add3A_636, %dma_wait3A_652] : memref<4096x128xf32, #tpu.memory_space<hbm>> -> memref<128x128xf32, #tpu.memory_space<hbm>>
    %dma_wait3A_654 = arith.constant 0 : i32
    %dma_wait3A_655 = arith.constant 0 : i32
    %dma_wait3A_656 = tpu.memref_slice %arg10[%dma_wait3A_654, %dma_wait3A_655] : memref<128x128xf32, #tpu.memory_space<vmem>> -> memref<128x128xf32, #tpu.memory_space<vmem>>
    tpu.wait_dma2 semaphore(%arg14 : memref<!tpu.dma_semaphore, #tpu.memory_space<semaphore_mem>>) src(%dma_wait3A_656 : memref<128x128xf32, #tpu.memory_space<vmem>>) dst(%dma_wait3A_653 : memref<128x128xf32, #tpu.memory_space<hbm>>)
    return
  }
}

</mosaic_0001>

<sc_bundles>
// kernel: kernel.3.cloned.1.call-start
scs
__scs_entry_jumppad:
0x0: {  	(pc) =	sbr.rel $0x88, $3  }
0x1: {  	(tag) =	ssettag $0x0;
	lr =	simm.s32 $0x1  }
0x2: {  	[smem:$0x3F9D] =	sst lr;
	_ =	strace $0xD0000000  }
0x3: {  	_ = 	snop  }
0x4: {  	_ = 	snop  }
0x5: {  	_ = 	snop  }
0x6: {  	_ = 	snop  }
0x7: {  	_ = 	snop  }
__scs_overlays_trampoline_lowered:
0x8: {  	[smem:$0x3FAC] =	sst s0  }
0x9: {  	[smem:$0x3FAD] =	sst s1  }
0xa: {  	[smem:$0x3FAE] =	sst s2  }
0xb: {  	[smem:$0x3FAF] =	sst s3  }
0xc: {  	[smem:$0x3FB0] =	sst s4  }
0xd: {  	[smem:$0x3FB1] =	sst s5  }
0xe: {  	[smem:$0x3FB2] =	sst s6  }
0xf: {  	[smem:$0x3FB3] =	sst s7  }
0x10: {  	[smem:$0x3FB4] =	sst s8  }
0x11: {  	[smem:$0x3FB5] =	sst s9;
	s0 =	simm.s32 @!p0 $0x0  }
0x12: {  	s1 =	sld [smem:$0x3F9B];
	s0 =	simm.s32 @p0 $0x1  }
0x13: {  	[smem:$0x3FB6] =	sst s0;
	s0 =	simm.s32 @!p1 $0x0  }
0x14: {  	s2 =	sld [smem:$0x3F9A];
	s0 =	simm.s32 @p1 $0x1  }
0x15: {  	[smem:$0x3FB7] =	sst s0;
	s0 =	simm.s32 @!p2 $0x0  }
0x16: {  	s3 =	sld [smem:$0x3FDB];
	s0 =	simm.s32 @p2 $0x1  }
0x17: {  	s4 =	simm.s32 $0x1BF5;
	[smem:$0x3FB9] =	sst s0  }
0x18: {  	s0 =	sld [smem:$0x3F9C];
	_ =	swait.ge [sflag:s4], $0x0  }
0x19: {  	s7 =	sld [smem:$0x3F9D]  }
0x1a: {  	s8 =	sadd.s32 $0xFFFFE003, lr  }
0x1b: {  	s9 =	sadd.s32 $0xFFFFFEF7, lr;
	s5 =	simm.s32 $0xFFFFFFFF;
	p2 =	slt.u32 s8, $0xFFFFF086  }
0x1c: {  	p1 =	slt.u32 s9, $0xF7A;
	s5 =	simm.s32 @!p2 $0x0  }
0x1d: {  	s5 =	simm.s32 @p1 $0x1;
	p0 =	seq.s32 s7, s2  }
0x1e: {  	s7 =	smul.u32 @!p0 $0xF7A, s2;
	p2 =	seq.s32 @!p0 s5, $0x0  }
0x1f: {  	s9 =	smul.u32 $0xF7A, s1;
	s8 =	simm.s32 @!p0 $0x1BF5;
	p2 =	por !p2, p0  }
0x20: {  	[sflag:s8] =	ssyncset.s32 @!p0 $0xFFFFF086;
	s6 =	sadd.s32 @!p0 s3, s7;
	s7 =	simm.s32 @!p0 $0x108  }
0x21: {  	s3 =	sadd.s32 s3, s9;
	s6 =	sadd.s32 @!p0 $0x88, s6;
	s7 =	simm.s32 @p2 $0x1082  }
0x22: {  	[simem:s7], [sflag:s8] =	dma.local @!p0 [hbm:s6], $0xF7A  }
0x23: {  	s9 =	sor.u32 $0xD0000000, s2;
	s6 =	simm.s32 $0x108;
	_ =	swait.ge @!p0 [sflag:s8], $0x0  }
0x24: {  	s3 =	sadd.s32 $0x88, s3;
	s6 =	simm.s32 @!p1 $0x1082;
	[sflag:s4] =	ssyncset.s32 $0xFFFFF086  }
0x25: {  	[simem:s6], [sflag:s4] =	dma.local [hbm:s3], $0xF7A  }
0x26: {  	[smem:$0x3F9D] =	sst s1;
	(tag) =	ssettag s2;
	_ =	strace s9  }
0x27: {  	s1 =	sld [smem:$0x3FAD]  }
0x28: {  	s2 =	sld [smem:$0x3FAE]  }
0x29: {  	s4 =	sld [smem:$0x3FB0]  }
0x2a: {  	p0 =	seq.s32 s5, $0x0;
	s5 =	sld [smem:$0x3FB1]  }
0x2b: {  	s6 =	sld [smem:$0x3FB2]  }
0x2c: {  	s7 =	sld [smem:$0x3FB3]  }
0x2d: {  	s3 =	simm.s32 $0x108;
	s8 =	sld [smem:$0x3FB4]  }
0x2e: {  	s3 =	simm.s32 @!p0 $0x1082;
	s9 =	sld [smem:$0x3FB5]  }
0x2f: {  	lr =	sadd.s32 s0, s3;
	s0 =	sld [smem:$0x3FAC]  }
0x30: {  	s3 =	sld [smem:$0x3FAF]  }
0x31: {  	[smem:$0x3FB8] =	sst s10  }
0x32: {  	s10 =	sld [smem:$0x3FB6];
	_ =	sdelay $0x3  }
0x33: {  	p0 =	seq.s32 s10, $0x1;
	s10 =	sld [smem:$0x3FB8];
	_ =	sdelay $0x3  }
0x34: {  	[smem:$0x3FB8] =	sst s10  }
0x35: {  	s10 =	sld [smem:$0x3FB7];
	_ =	sdelay $0x3  }
0x36: {  	p1 =	seq.s32 s10, $0x1;
	s10 =	sld [smem:$0x3FB8];
	_ =	sdelay $0x3  }
0x37: {  	[smem:$0x3FB8] =	sst s10  }
0x38: {  	s10 =	sld [smem:$0x3FB9]  }
0x39: {  	_ = 	snop;
	(pc) =	sbr.ind lr, $3  }
0x3a: {  	_ = 	snop  }
0x3b: {  	_ = 	snop  }
0x3c: {  	p2 =	seq.s32 s10, $0x1;
	s10 =	sld [smem:$0x3FB8]  }
0x3d: {  	_ =	shalt  }
0x3e: {  	_ =	shalt  }
0x3f: {  	_ =	shalt  }
0x40: {  	_ =	shalt  }
0x41: {  	_ =	shalt  }
0x42: {  	_ =	shalt  }
0x43: {  	_ =	shalt  }
0x44: {  	_ =	shalt  }
0x45: {  	_ =	shalt  }
0x46: {  	_ =	shalt  }
0x47: {  	_ =	shalt  }
0x48: {  	_ =	shalt  }
0x49: {  	_ =	shalt  }
0x4a: {  	_ =	shalt  }
0x4b: {  	_ =	shalt  }
0x4c: {  	_ =	shalt  }
0x4d: {  	_ =	shalt  }
0x4e: {  	_ =	shalt  }
0x4f: {  	_ =	shalt  }
0x50: {  	_ =	shalt  }
0x51: {  	_ =	shalt  }
0x52: {  	_ =	shalt  }
0x53: {  	_ =	shalt  }
0x54: {  	_ =	shalt  }
0x55: {  	_ =	shalt  }
0x56: {  	_ =	shalt  }
0x57: {  	_ =	shalt  }
0x58: {  	_ =	shalt  }
0x59: {  	_ =	shalt  }
0x5a: {  	_ =	shalt  }
0x5b: {  	_ =	shalt  }
0x5c: {  	_ =	shalt  }
0x5d: {  	_ =	shalt  }
0x5e: {  	_ =	shalt  }
0x5f: {  	_ =	shalt  }
0x60: {  	_ =	shalt  }
0x61: {  	_ =	shalt  }
0x62: {  	_ =	shalt  }
0x63: {  	_ =	shalt  }
0x64: {  	_ =	shalt  }
0x65: {  	_ =	shalt  }
0x66: {  	_ =	shalt  }
0x67: {  	_ =	shalt  }
0x68: {  	_ =	shalt  }
0x69: {  	_ =	shalt  }
0x6a: {  	_ =	shalt  }
0x6b: {  	_ =	shalt  }
0x6c: {  	_ =	shalt  }
0x6d: {  	_ =	shalt  }
0x6e: {  	_ =	shalt  }
0x6f: {  	_ =	shalt  }
0x70: {  	_ =	shalt  }
0x71: {  	_ =	shalt  }
0x72: {  	_ =	shalt  }
0x73: {  	_ =	shalt  }
0x74: {  	_ =	shalt  }
0x75: {  	_ =	shalt  }
0x76: {  	_ =	shalt  }
0x77: {  	_ =	shalt  }
0x78: {  	_ =	shalt  }
0x79: {  	_ =	shalt  }
0x7a: {  	_ =	shalt  }
0x7b: {  	_ =	shalt  }
0x7c: {  	_ =	shalt  }
0x7d: {  	_ =	shalt  }
0x7e: {  	_ =	shalt  }
0x7f: {  	_ =	shalt  }
0x80: {  	_ =	shalt  }
0x81: {  	_ =	shalt  }
0x82: {  	_ =	shalt  }
0x83: {  	_ =	shalt  }
0x84: {  	_ =	shalt  }
0x85: {  	_ =	shalt  }
0x86: {  	_ =	shalt  }
0x87: {  	_ =	shalt  }
.Lfunc_end0:
.L_simem_size_0:
called_computation_lowered:
.L_overlay_start_0:
0x88: {  	s2 =	sld [smem:$0x3FD9]  }
0x89: {  	s3 =	sld [smem:$0x3FFE];
	_ =	sdelay $0x1  }
0x8a: {  	s1 =	srdreg.scid  }
0x8b: {  	s0 =	sand.u32 $0x1, s1  }
0x8c: {  	s18 =	sshll.u32 s0, $0xA;
	s2 =	sadd.s32 s3, s2  }
0x8d: {  	s2 =	sadd.s32 s2, s18  }
0x8e: {  	[smem:$0x3FC4] =	sst s2  }
0x8f: {  	_ = 	snop  }
0x90: {  	s2 =	sld [smem:$0x3FC9]  }
0x91: {  	s19 =	sld [smem:$0x3FC8]  }
0x92: {  	s4 =	sld [smem:$0x3FC7]  }
0x93: {  	s5 =	sld [smem:$0x3FC6]  }
0x94: {  	s6 =	sld [smem:$0x3FD0];
	(tm) =	ssettm $0x1  }
0x95: {  	s7 =	sld [smem:$0x3FFB];
	_ =	sdelay $0x3  }
0x96: {  	_ =	strace s7  }
0x97: {  	s7 =	sld [smem:$0x3FFC];
	_ =	sdelay $0x3  }
0x98: {  	_ =	strace s7  }
0x99: {  	s7 =	sld [smem:$0x3FFD];
	_ =	sdelay $0x3  }
0x9a: {  	_ =	strace s7  }
0x9b: {  	_ =	strace $0x8FFFFFFF  }
0x9c: {  	s20 =	sld [smem:$0x3FDB];
	_ =	sdelay $0x1  }
0x9d: {  	s8 =	simm.s32 $_scs_section_size  }
0x9e: {  	s9 =	simm.s32 $_size__tile_overlayer_lowered;
	s10 =	simm.s32 $_tile_overlayer_lowered  }
0x9f: {  	s23 =	simm.s32 $0x1BFF;
	s22 =	sshll.u32 s10, $0x1;
	s7 =	sadd.s32 s8, s20  }
0xa0: {  	s11 =	simm.s32 $0x0;
	s21 =	sshll.u32 s9, $0x1;
	s9 =	sadd.s32 s22, s7  }
0xa1: {  	[timem:s11], [sflag:s23] =	dma.local [hbm:s9], s21  }
0xa2: {  	_ =	swait.ge [sflag:s23], s21  }
0xa3: {  	s8 =	ssub.s32 $0x0, s21;
	[sflag:s23] =	ssyncset.done $0x0  }
0xa4: {  	[sflag:s23] =	ssyncadd.s32 s8;
	_ =	sdelay $0x1  }
0xa5: {  	s24 =	simm.s32 $0x1B8B  }
0xa6: {  	_ =	swait.ge [sflag:s24], $0x1  }
0xa7: {  	[sflag:s24] =	ssyncset.done $0x0  }
0xa8: {  	s25 =	simm.s32 $0x1B8E;
	[sflag:s24] =	ssyncadd.s32 $0xFFFFFFFF  }
0xa9: {  	s26 =	simm.s32 $execute0_lowered;
	[smem:$0x3FD2] =	sst s25  }
0xaa: {  	s8 =	sshll.u32 s26, $0x1;
	_ =	strace $0x80000046;
	[dreg:$0x1] =	wrdreg $0xFFFFFFFF  }
0xab: {  	s28 =	simm.s32 $_size_execute0_lowered;
	s7 =	sadd.s32 s7, s8;
	[dreg:$0x0] =	wrdreg $0x0  }
0xac: {  	s8 =	sshll.u32 s28, $0x1;
	[dreg:$0x2] =	wrdreg s7  }
0xad: {  	[dreg:$0x3] =	wrdreg s8  }
0xae: {  	[dreg:$0x4] =	wrdreg $0xC0  }
0xaf: {  	_ =	task [dreg:s11], $0x5FFFF  }
0xb0: {  	[dreg:$0x1] =	wrdreg $0xFFFFFFFF  }
0xb1: {  	[dreg:$0x0] =	wrdreg $0x60  }
0xb2: {  	[dreg:$0x2] =	wrdreg s2  }
0xb3: {  	[dreg:$0x3] =	wrdreg s19  }
0xb4: {  	[dreg:$0x4] =	wrdreg s4  }
0xb5: {  	[dreg:$0x5] =	wrdreg s5  }
0xb6: {  	[dreg:$0x6] =	wrdreg s6  }
0xb7: {  	[dreg:$0x7] =	wrdreg $0x9  }
0xb8: {  	_ =	task.clear_ibuf [dreg:s11], $0x8FFFF;
	_ =	strace $0x90000046  }
0xb9: {  	s29 =	simm.s32 $0x9;
	_ =	strace $0x80000048  }
0xba: {  	_ =	swait.ge [sflag:s29], $0x1  }
0xbb: {  	[sflag:s29] =	ssyncadd.s32 $0xFFFFFFFF  }
0xbc: {  	_ =	strace $0x90000048  }
0xbd: {  	_ =	sfence  }
0xbe: {  	s30 =	sld [smem:$0x0];
	_ =	sdelay $0x2  }
0xbf: {  	s31 =	sshll.u32 s1, $0xD;
	s1 =	sshrl.u32 s1, $0x2  }
0xc0: {  	s3 =	sand.u32 $0x4000, s31;
	s1 =	sadd.s32 s1, s30  }
0xc1: {  	s0 =	sor.u32 s3, s0;
	s1 =	sshll.u32 s1, $0x11  }
0xc2: {  	s0 =	sor.u32 s1, s0  }
0xc3: {  	s0 =	sadd.s32 $0x8F2B, s0  }
0xc4: {  	[sflag:s0] =	ssyncadd.remote.s32 $0x1  }
0xc5: {  	_ =	sfence.sel $0xFFFF  }
0xc6: {  	[dreg:$0x0] =	wrdreg $0xFFFFFFFF;
	(pc) =	sbr.abs _section_cstart, $3  }
0xc7: {  	[dreg:$0x1] =	wrdreg $0xFFFFFFFF  }
0xc8: {  	_ =	task.clear_ibuf [dreg:s11], $0x2FFFF;
	_ =	strace $0x9FFFFFFF  }
0xc9: {  	(tm) =	ssettm $0x7FFFFFFF  }
tec
execute0_lowered:
.L_overlay_start_1:
0x0: {  	(tag) =	ssettag $0x1  }
0x1: {  	s6 =	rddreg [dreg:$0x0]  }
0x2: {  	s1 =	rddreg [dreg:$0x1]  }
0x3: {  	s2 =	rddreg [dreg:$0x2]  }
0x4: {  	s3 =	rddreg [dreg:$0x3]  }
0x5: {  	s7 =	rddreg [dreg:$0x4]  }
0x6: {  	s0 =	rddreg [dreg:$0x5];
	s5 =	simm.s32 $0x0;
	s8 =	srdreg.scid  }
0x7: {  	s4 =	stileid.u32;
	s12 =	simm.s32 $0x100;
	s13 =	simm.s32 $0x4180  }
0x8: {  	s14 =	simm.s32 $0x8180;
	s15 =	simm.s32 $0x1;
	s16 =	simm.s32 $0x2  }
0x9: {  	s17 =	simm.s32 $0x0;
	[smem:$0x7FF] =	sst s5;
	s8 =	sand.u32 $0x1, s8  }
0xa: {  	s10 =	sshll.u32 s4, $0x8;
	s9 =	ssub.s32 $0x2, s8;
	s8 =	sshll.u32 s8, $0x7  }
0xb: {  	_ =	strace $0x80000047;
	s11 =	sshrl.u32 s9, $0x1;
	s8 =	sor.u32 s8, s10  }
0xc: {  	s9 =	ssub.s32 s9, s11;
	s10 =	sshrl.u32 s8, $0x3;
	s8 =	sshll.u32 s8, $0x4  }
0xd: {  	s11 =	simm.s32 $0x180;
	s6 =	sadd.s32 s6, s10;
	s7 =	sadd.s32 s7, s8  }
0xe: {  	s8 =	smax.u32 s9, $0x1;
	s9 =	simm.s32 $0x3;
	s10 =	simm.s32 $0x80  }
.LBB2_1:
0xf: {  	[tilespmem:s5], [sflag:$0x3] =	stream.linear.gather [hbm4b:s6+s5], $0x80, $0x38;
	[tilespmem:$0x8200] =	vst v63  }
0x10: {  	_ =	swait.ge [sflag:s9], $0x80  }
0x11: {  	[sflag:s9] =	ssyncset.done $0x0  }
0x12: {  	[sflag:s9] =	ssyncadd.s32 $0xFFFFFF80  }
0x13: {  	v0 =	vld [tilespmem:$0x0];
	_ =	sdelay $0x3  }
0x14: {  	v1 =	vld [tilespmem:$0x10]  }
0x15: {  	v2 =	vld [tilespmem:$0x20];
	v0 =	vcvt.s32.f32 v0;
	_ =	sdelay $0x1  }
0x16: {  	v0 =	vmul.f32 $3.000000000e+00, v0;
	_ =	sdelay $0x1  }
0x17: {  	v1 =	vcvt.s32.f32 v1;
	v0 =	vadd.f32 $2.000006000e+06, v0  }
0x18: {  	v2 =	vcvt.s32.f32 v2  }
0x19: {  	v1 =	vmul.f32 $3.000000000e+00, v1;
	v3 =	vmul.f32 $9.999999740e-06, v0;
	_ =	sdelay $0x1  }
0x1a: {  	v2 =	vmul.f32 $3.000000000e+00, v2;
	v1 =	vadd.f32 $2.000006000e+06, v1;
	v3 =	vtrunc.f32 v3  }
0x1b: {  	v3 =	vcvt.f32.s32 v3  }
0x1c: {  	v2 =	vadd.f32 $2.000006000e+06, v2;
	v4 =	vmul.f32 $9.999999740e-06, v1  }
0x1d: {  	v6 =	vld [tilespmem:$0x30];
	v3 =	vcvt.s32.f32 v3  }
0x1e: {  	v5 =	vmul.f32 $9.999999740e-06, v2;
	v4 =	vtrunc.f32 v4  }
0x1f: {  	v4 =	vcvt.f32.s32 v4;
	v3 =	vmul.f32 $1.000000000e+05, v3  }
0x20: {  	v5 =	vtrunc.f32 v5  }
0x21: {  	v8 =	vld [tilespmem:$0x60];
	v0 =	vsub.f32 v0, v3;
	v3 =	vcvt.s32.f32 v4;
	v4 =	vcvt.f32.s32 v5  }
0x22: {  	v9 =	vld [tilespmem:$0x70];
	v6 =	vcvt.s32.f32 v6  }
0x23: {  	v5 =	vadd.f32 $1.000000000e+05, v0;
	v3 =	vmul.f32 $1.000000000e+05, v3;
	v4 =	vcvt.s32.f32 v4  }
0x24: {  	v6 =	vmul.f32 $3.000000000e+00, v6;
	vm0 =	vlt.f32 v0, $0.0e+00  }
0x25: {  	v0 =	vsel vm0, v5, v0;
	v1 =	vsub.f32 v1, v3;
	v3 =	vmul.f32 $1.000000000e+05, v4;
	v4 =	vld [tilespmem:$0x40]  }
0x26: {  	v8 =	vcvt.s32.f32 v8;
	v5 =	vadd.f32 $-1.000000000e+05, v0  }
0x27: {  	v9 =	vcvt.s32.f32 v9;
	v2 =	vsub.f32 v2, v3;
	v3 =	vadd.f32 $2.000006000e+06, v6  }
0x28: {  	vm0 =	vge.f32 v0, $1.000000000e+05;
	v7 =	vadd.f32 $1.000000000e+05, v1;
	vm15 =	vlt.f32 v1, $0.0e+00  }
0x29: {  	v0 =	vsel vm0, v5, v0;
	v5 =	vadd.f32 $1.000000000e+05, v2;
	v6 =	vmul.f32 $9.999999740e-06, v3  }
0x2a: {  	v1 =	vsel vm15, v7, v1;
	vm4 =	vlt.f32 v2, $0.0e+00;
	v4 =	vcvt.s32.f32 v4  }
0x2b: {  	v7 =	vadd.f32 $-1.000000000e+05, v1;
	v2 =	vsel vm4, v5, v2;
	v5 =	vtrunc.f32 v6;
	v6 =	vld [tilespmem:$0x50]  }
0x2c: {  	v0 =	vtrunc.f32 v0;
	vm5 =	vge.f32 v1, $1.000000000e+05;
	v4 =	vmul.f32 $3.000000000e+00, v4  }
0x2d: {  	v0 =	vcvt.f32.s32 v0;
	v1 =	vsel vm5, v7, v1;
	v5 =	vcvt.f32.s32 v5  }
0x2e: {  	v7 =	vadd.f32 $-1.000000000e+05, v2;
	v1 =	vtrunc.f32 v1;
	v4 =	vadd.f32 $2.000006000e+06, v4  }
0x2f: {  	vm6 =	vge.f32 v2, $1.000000000e+05;
	v1 =	vcvt.f32.s32 v1;
	v5 =	vcvt.s32.f32 v5  }
0x30: {  	v2 =	vsel vm6, v7, v2;
	v7 =	vmul.f32 $9.999999740e-06, v4;
	v6 =	vcvt.s32.f32 v6  }
0x31: {  	v2 =	vtrunc.f32 v2;
	v5 =	vmul.f32 $1.000000000e+05, v5  }
0x32: {  	v7 =	vtrunc.f32 v7;
	v6 =	vmul.f32 $3.000000000e+00, v6  }
0x33: {  	v3 =	vsub.f32 v3, v5;
	v5 =	vcvt.f32.s32 v7;
	v7 =	vmul.f32 $3.000000000e+00, v8  }
0x34: {  	v2 =	vcvt.f32.s32 v2;
	v8 =	vmul.f32 $3.000000000e+00, v9;
	v6 =	vadd.f32 $2.000006000e+06, v6  }
0x35: {  	v9 =	vadd.f32 $1.000000000e+05, v3;
	v5 =	vcvt.s32.f32 v5;
	v7 =	vadd.f32 $2.000006000e+06, v7  }
0x36: {  	vm7 =	vlt.f32 v3, $0.0e+00;
	v8 =	vadd.f32 $2.000006000e+06, v8;
	v10 =	vmul.f32 $9.999999740e-06, v6  }
0x37: {  	v3 =	vsel vm7, v9, v3;
	v5 =	vmul.f32 $1.000000000e+05, v5;
	v9 =	vmul.f32 $9.999999740e-06, v7  }
0x38: {  	vm0 =	vge.f32 v3, $1.000000000e+05;
	v11 =	vmul.f32 $9.999999740e-06, v8;
	v10 =	vtrunc.f32 v10  }
0x39: {  	v4 =	vsub.f32 v4, v5;
	v5 =	vcvt.f32.s32 v10;
	v9 =	vtrunc.f32 v9  }
0x3a: {  	v10 =	vadd.f32 $-1.000000000e+05, v3;
	v11 =	vtrunc.f32 v11;
	v9 =	vcvt.f32.s32 v9  }
0x3b: {  	v11 =	vcvt.f32.s32 v11;
	v12 =	vadd.f32 $1.000000000e+05, v4;
	v5 =	vcvt.s32.f32 v5  }
0x3c: {  	v3 =	vsel vm0, v10, v3;
	vm8 =	vlt.f32 v4, $0.0e+00;
	v9 =	vcvt.s32.f32 v9  }
0x3d: {  	v10 =	vcvt.s32.f32 v11;
	v4 =	vsel vm8, v12, v4;
	v5 =	vmul.f32 $1.000000000e+05, v5  }
0x3e: {  	v3 =	vtrunc.f32 v3;
	v11 =	vadd.f32 $-1.000000000e+05, v4;
	v9 =	vmul.f32 $1.000000000e+05, v9  }
0x3f: {  	vm0 =	vge.f32 v4, $1.000000000e+05;
	v5 =	vsub.f32 v6, v5;
	v6 =	vmul.f32 $1.000000000e+05, v10  }
0x40: {  	v3 =	vcvt.f32.s32 v3;
	v4 =	vsel vm0, v11, v4;
	v7 =	vsub.f32 v7, v9  }
0x41: {  	v4 =	vtrunc.f32 v4;
	v9 =	vadd.f32 $1.000000000e+05, v5;
	v6 =	vsub.f32 v8, v6  }
0x42: {  	vm9 =	vlt.f32 v5, $0.0e+00;
	v4 =	vcvt.f32.s32 v4;
	v8 =	vadd.f32 $1.000000000e+05, v7  }
0x43: {  	vm10 =	vlt.f32 v7, $0.0e+00;
	v5 =	vsel vm9, v9, v5;
	v9 =	vadd.f32 $1.000000000e+05, v6  }
0x44: {  	vm11 =	vlt.f32 v6, $0.0e+00;
	v10 =	vadd.f32 $-1.000000000e+05, v5;
	v7 =	vsel vm10, v8, v7  }
0x45: {  	[tilespmem:$0x80] =	vst v0;
	vm12 =	vge.f32 v5, $1.000000000e+05;
	v0 =	vsel vm11, v9, v6;
	v6 =	vadd.f32 $-1.000000000e+05, v7  }
0x46: {  	[tilespmem:$0x90] =	vst v1;
	vm13 =	vge.f32 v7, $1.000000000e+05;
	v1 =	vsel vm12, v10, v5;
	v5 =	vadd.f32 $-1.000000000e+05, v0  }
0x47: {  	[tilespmem:$0xA0] =	vst v2;
	vm14 =	vge.f32 v0, $1.000000000e+05;
	v1 =	vtrunc.f32 v1;
	v2 =	vsel vm13, v6, v7  }
0x48: {  	[tilespmem:$0xB0] =	vst v3;
	v1 =	vcvt.f32.s32 v1;
	v2 =	vtrunc.f32 v2;
	v0 =	vsel vm14, v5, v0  }
0x49: {  	[tilespmem:$0xC0] =	vst v4;
	v2 =	vcvt.f32.s32 v2;
	v0 =	vtrunc.f32 v0  }
0x4a: {  	[tilespmem:$0xD0] =	vst v1;
	v0 =	vcvt.f32.s32 v0  }
0x4b: {  	[tilespmem:$0xE0] =	vst v2  }
0x4c: {  	[tilespmem:$0xF0] =	vst v0  }
0x4d: {  	[tilespmem:s11], [sflag:$0x1] =	stream.indirect.gather [hbm4b:s1+s10], $0x80, s10, s10, $0xb8;
	[tilespmem:$0x8200] =	vst v63  }
0x4e: {  	v0 =	vld [tilespmem:$0x0];
	_ =	sdelay $0x3  }
0x4f: {  	v1 =	vld [tilespmem:$0x10]  }
0x50: {  	v2 =	vld [tilespmem:$0x20];
	v0 =	vcvt.s32.f32 v0;
	_ =	sdelay $0x1  }
0x51: {  	v0 =	vmul.f32 $7.000000000e+00, v0;
	_ =	sdelay $0x1  }
0x52: {  	v1 =	vcvt.s32.f32 v1;
	v0 =	vadd.f32 $4.000012000e+06, v0  }
0x53: {  	v2 =	vcvt.s32.f32 v2  }
0x54: {  	v1 =	vmul.f32 $7.000000000e+00, v1;
	v3 =	vmul.f32 $9.999999740e-06, v0;
	_ =	sdelay $0x1  }
0x55: {  	v2 =	vmul.f32 $7.000000000e+00, v2;
	v1 =	vadd.f32 $4.000012000e+06, v1;
	v3 =	vtrunc.f32 v3  }
0x56: {  	v3 =	vcvt.f32.s32 v3  }
0x57: {  	v2 =	vadd.f32 $4.000012000e+06, v2;
	v4 =	vmul.f32 $9.999999740e-06, v1  }
0x58: {  	v6 =	vld [tilespmem:$0x30];
	v3 =	vcvt.s32.f32 v3  }
0x59: {  	v5 =	vmul.f32 $9.999999740e-06, v2;
	v4 =	vtrunc.f32 v4  }
0x5a: {  	v4 =	vcvt.f32.s32 v4;
	v3 =	vmul.f32 $1.000000000e+05, v3  }
0x5b: {  	v5 =	vtrunc.f32 v5  }
0x5c: {  	v8 =	vld [tilespmem:$0x60];
	v0 =	vsub.f32 v0, v3;
	v3 =	vcvt.s32.f32 v4;
	v4 =	vcvt.f32.s32 v5  }
0x5d: {  	v9 =	vld [tilespmem:$0x70];
	v6 =	vcvt.s32.f32 v6  }
0x5e: {  	v5 =	vadd.f32 $1.000000000e+05, v0;
	v3 =	vmul.f32 $1.000000000e+05, v3;
	v4 =	vcvt.s32.f32 v4  }
0x5f: {  	v6 =	vmul.f32 $7.000000000e+00, v6;
	vm15 =	vlt.f32 v0, $0.0e+00  }
0x60: {  	v0 =	vsel vm15, v5, v0;
	v1 =	vsub.f32 v1, v3;
	v3 =	vmul.f32 $1.000000000e+05, v4;
	v4 =	vld [tilespmem:$0x40]  }
0x61: {  	v8 =	vcvt.s32.f32 v8;
	v5 =	vadd.f32 $-1.000000000e+05, v0  }
0x62: {  	v9 =	vcvt.s32.f32 v9;
	v2 =	vsub.f32 v2, v3;
	v3 =	vadd.f32 $4.000012000e+06, v6  }
0x63: {  	vm0 =	vge.f32 v0, $1.000000000e+05;
	v7 =	vadd.f32 $1.000000000e+05, v1;
	vm4 =	vlt.f32 v1, $0.0e+00  }
0x64: {  	v0 =	vsel vm0, v5, v0;
	v5 =	vadd.f32 $1.000000000e+05, v2;
	v6 =	vmul.f32 $9.999999740e-06, v3  }
0x65: {  	v1 =	vsel vm4, v7, v1;
	vm5 =	vlt.f32 v2, $0.0e+00;
	v4 =	vcvt.s32.f32 v4  }
0x66: {  	v7 =	vadd.f32 $-1.000000000e+05, v1;
	v2 =	vsel vm5, v5, v2;
	v5 =	vtrunc.f32 v6;
	v6 =	vld [tilespmem:$0x50]  }
0x67: {  	v0 =	vtrunc.f32 v0;
	vm6 =	vge.f32 v1, $1.000000000e+05;
	v4 =	vmul.f32 $7.000000000e+00, v4  }
0x68: {  	v0 =	vcvt.f32.s32 v0;
	v1 =	vsel vm6, v7, v1;
	v5 =	vcvt.f32.s32 v5  }
0x69: {  	v7 =	vadd.f32 $-1.000000000e+05, v2;
	v1 =	vtrunc.f32 v1;
	v4 =	vadd.f32 $4.000012000e+06, v4  }
0x6a: {  	vm7 =	vge.f32 v2, $1.000000000e+05;
	v1 =	vcvt.f32.s32 v1;
	v5 =	vcvt.s32.f32 v5  }
0x6b: {  	v2 =	vsel vm7, v7, v2;
	v7 =	vmul.f32 $9.999999740e-06, v4;
	v6 =	vcvt.s32.f32 v6  }
0x6c: {  	v2 =	vtrunc.f32 v2;
	v5 =	vmul.f32 $1.000000000e+05, v5  }
0x6d: {  	v7 =	vtrunc.f32 v7;
	v6 =	vmul.f32 $7.000000000e+00, v6  }
0x6e: {  	v3 =	vsub.f32 v3, v5;
	v5 =	vcvt.f32.s32 v7;
	v7 =	vmul.f32 $7.000000000e+00, v8  }
0x6f: {  	v2 =	vcvt.f32.s32 v2;
	v8 =	vmul.f32 $7.000000000e+00, v9;
	v6 =	vadd.f32 $4.000012000e+06, v6  }
0x70: {  	v9 =	vadd.f32 $1.000000000e+05, v3;
	v5 =	vcvt.s32.f32 v5;
	v7 =	vadd.f32 $4.000012000e+06, v7  }
0x71: {  	vm8 =	vlt.f32 v3, $0.0e+00;
	v8 =	vadd.f32 $4.000012000e+06, v8;
	v10 =	vmul.f32 $9.999999740e-06, v6  }
0x72: {  	v3 =	vsel vm8, v9, v3;
	v5 =	vmul.f32 $1.000000000e+05, v5;
	v9 =	vmul.f32 $9.999999740e-06, v7  }
0x73: {  	vm0 =	vge.f32 v3, $1.000000000e+05;
	v11 =	vmul.f32 $9.999999740e-06, v8;
	v10 =	vtrunc.f32 v10  }
0x74: {  	v4 =	vsub.f32 v4, v5;
	v5 =	vcvt.f32.s32 v10;
	v9 =	vtrunc.f32 v9  }
0x75: {  	v10 =	vadd.f32 $-1.000000000e+05, v3;
	v11 =	vtrunc.f32 v11;
	v9 =	vcvt.f32.s32 v9  }
0x76: {  	v11 =	vcvt.f32.s32 v11;
	v12 =	vadd.f32 $1.000000000e+05, v4;
	v5 =	vcvt.s32.f32 v5  }
0x77: {  	v3 =	vsel vm0, v10, v3;
	vm9 =	vlt.f32 v4, $0.0e+00;
	v9 =	vcvt.s32.f32 v9  }
0x78: {  	v10 =	vcvt.s32.f32 v11;
	v4 =	vsel vm9, v12, v4;
	v5 =	vmul.f32 $1.000000000e+05, v5  }
0x79: {  	v3 =	vtrunc.f32 v3;
	v11 =	vadd.f32 $-1.000000000e+05, v4;
	v9 =	vmul.f32 $1.000000000e+05, v9  }
0x7a: {  	vm0 =	vge.f32 v4, $1.000000000e+05;
	v5 =	vsub.f32 v6, v5;
	v6 =	vmul.f32 $1.000000000e+05, v10  }
0x7b: {  	v3 =	vcvt.f32.s32 v3;
	v4 =	vsel vm0, v11, v4;
	v7 =	vsub.f32 v7, v9  }
0x7c: {  	v4 =	vtrunc.f32 v4;
	v9 =	vadd.f32 $1.000000000e+05, v5;
	v6 =	vsub.f32 v8, v6  }
0x7d: {  	vm10 =	vlt.f32 v5, $0.0e+00;
	v4 =	vcvt.f32.s32 v4;
	v8 =	vadd.f32 $1.000000000e+05, v7  }
0x7e: {  	vm11 =	vlt.f32 v7, $0.0e+00;
	v5 =	vsel vm10, v9, v5;
	v9 =	vadd.f32 $1.000000000e+05, v6  }
0x7f: {  	vm12 =	vlt.f32 v6, $0.0e+00;
	v10 =	vadd.f32 $-1.000000000e+05, v5;
	v7 =	vsel vm11, v8, v7  }
0x80: {  	[tilespmem:$0x100] =	vst v0;
	vm13 =	vge.f32 v5, $1.000000000e+05;
	v0 =	vsel vm12, v9, v6;
	v6 =	vadd.f32 $-1.000000000e+05, v7  }
0x81: {  	[tilespmem:$0x110] =	vst v1;
	vm14 =	vge.f32 v7, $1.000000000e+05;
	v1 =	vsel vm13, v10, v5;
	v5 =	vadd.f32 $-1.000000000e+05, v0  }
0x82: {  	[tilespmem:$0x120] =	vst v2;
	vm15 =	vge.f32 v0, $1.000000000e+05;
	v1 =	vtrunc.f32 v1;
	v2 =	vsel vm14, v6, v7  }
0x83: {  	[tilespmem:$0x130] =	vst v3;
	v1 =	vcvt.f32.s32 v1;
	v2 =	vtrunc.f32 v2;
	v0 =	vsel vm15, v5, v0  }
0x84: {  	[tilespmem:$0x140] =	vst v4;
	v2 =	vcvt.f32.s32 v2;
	v0 =	vtrunc.f32 v0  }
0x85: {  	[tilespmem:$0x150] =	vst v1;
	v0 =	vcvt.f32.s32 v0  }
0x86: {  	[tilespmem:$0x160] =	vst v2  }
0x87: {  	[tilespmem:$0x170] =	vst v0  }
0x88: {  	[tilespmem:s13], [sflag:$0x1] =	stream.indirect.gather [hbm4b:s2+s10], $0x80, s12, s10, $0xb8;
	[tilespmem:$0x8200] =	vst v63  }
0x89: {  	_ = 	snop  }
0x8a: {  	[tilespmem:s14], [sflag:$0x3] =	stream.linear.gather [hbm4b:s3+s5], $0x2, $0x38;
	[tilespmem:$0x8200] =	vst v63  }
0x8b: {  	_ =	swait.ge [sflag:s9], $0x2  }
0x8c: {  	[sflag:s9] =	ssyncset.done $0x0  }
0x8d: {  	[sflag:s9] =	ssyncadd.s32 $0xFFFFFFFE  }
0x8e: {  	v0 =	vld [tilespmem:$0x8180];
	_ =	sdelay $0x4  }
0x8f: {  	v1 =	vbroadcast v0, $0x0;
	v0 =	vbroadcast v0, $0x1;
	_ =	sdelay $0x1  }
0x90: {  	v2 =	vadd.f32 v0, v1;
	_ =	sdelay $0x1  }
0x91: {  	(erf) = vrcp.f32 v2;
	_ =	sdelay $0x8  }
0x92: {  	v2 =	vpop (erf)  }
0x93: {  	_ =	swait.ge [sflag:s15], $0x4000  }
0x94: {  	[sflag:s15] =	ssyncset.done $0x0  }
0x95: {  	[sflag:s15] =	ssyncadd.s32 $0xFFFFC000  }
0x96: {  	_ =	swait.ge [sflag:s15], $0x4000  }
0x97: {  	[sflag:s15] =	ssyncset.done $0x0  }
0x98: {  	s18 =	simm.s32 $0x280;
	[sflag:s15] =	ssyncadd.s32 $0xFFFFC000  }
0x99: {  	s21 =	simm.s32 $0x4280;
	v3 =	vld [tilespmem:s18+$0x80]  }
0x9a: {  	v4 =	vld [tilespmem:s21+$0x80];
	_ =	sdelay $0x2  }
0x9b: {  	v1 =	vmul.f32 v2, v1;
	v0 =	vmul.f32 v2, v0;
	v2 =	vld [tilespmem:s18+$0xFFFFFF80]  }
0x9c: {  	v5 =	vld [tilespmem:s21+$0xFFFFFF80]  }
0x9d: {  	v3 =	vmul.f32 v3, v1;
	v4 =	vmul.f32 v4, v0  }
0x9e: {  	v6 =	vld [tilespmem:s21+$0xFFFFFF00]  }
0x9f: {  	v7 =	vld [tilespmem:s18+$0x0];
	v3 =	vadd.f32 v4, v3  }
0xa0: {  	v4 =	vld [tilespmem:s21+$0x0]  }
0xa1: {  	v8 =	vld [tilespmem:s18+$0xFFFFFF00];
	v2 =	vmul.f32 v2, v1;
	[tilespmem:s18+$0x80] =	vst v3;
	v3 =	vmul.f32 v5, v0  }
0xa2: {  	v5 =	vld [tilespmem:s18+$0x90]  }
0xa3: {  	v9 =	vld [tilespmem:s21+$0x90];
	v2 =	vadd.f32 v3, v2;
	_ =	sdelay $0x1  }
0xa4: {  	v3 =	vmul.f32 v7, v1;
	[tilespmem:s18+$0xFFFFFF80] =	vst v2;
	v2 =	vmul.f32 v4, v0  }
0xa5: {  	v8 =	vmul.f32 v8, v1;
	v7 =	vld [tilespmem:s18+$0xFFFFFF10];
	v4 =	vmul.f32 v6, v0  }
0xa6: {  	v6 =	vld [tilespmem:s18+$0xFFFFFF90];
	v2 =	vadd.f32 v2, v3  }
0xa7: {  	v10 =	vld [tilespmem:s21+$0xFFFFFF90];
	v3 =	vmul.f32 v5, v1;
	v5 =	vmul.f32 v9, v0;
	v4 =	vadd.f32 v4, v8  }
0xa8: {  	v9 =	vld [tilespmem:s18+$0x10];
	[tilespmem:s18+$0x0] =	vst v2  }
0xa9: {  	v2 =	vadd.f32 v5, v3;
	[tilespmem:s18+$0xFFFFFF00] =	vst v4;
	v3 =	vld [tilespmem:s21+$0x10]  }
0xaa: {  	v4 =	vld [tilespmem:s21+$0xFFFFFF10]  }
0xab: {  	[tilespmem:s18+$0x90] =	vst v2;
	v2 =	vld [tilespmem:s18+$0xA0]  }
0xac: {  	v5 =	vmul.f32 v6, v1;
	v6 =	vmul.f32 v10, v0;
	v10 =	vld [tilespmem:s21+$0xA0]  }
0xad: {  	v11 =	vld [tilespmem:s18+$0xFFFFFFA0]  }
0xae: {  	v12 =	vld [tilespmem:s18+$0xFFFFFF30];
	v5 =	vadd.f32 v6, v5;
	v6 =	vmul.f32 v9, v1;
	v3 =	vmul.f32 v3, v0  }
0xaf: {  	v13 =	vld [tilespmem:s18+$0xFFFFFFB0];
	v7 =	vmul.f32 v7, v1;
	v4 =	vmul.f32 v4, v0  }
0xb0: {  	v8 =	vld [tilespmem:s18+$0xFFFFFF20];
	[tilespmem:s18+$0xFFFFFF90] =	vst v5;
	v3 =	vadd.f32 v3, v6  }
0xb1: {  	v5 =	vld [tilespmem:s21+$0xFFFFFFA0];
	v2 =	vmul.f32 v2, v1;
	v6 =	vmul.f32 v10, v0;
	v4 =	vadd.f32 v4, v7  }
0xb2: {  	v9 =	vld [tilespmem:s18+$0x20];
	[tilespmem:s18+$0x10] =	vst v3  }
0xb3: {  	v2 =	vadd.f32 v6, v2;
	[tilespmem:s18+$0xFFFFFF10] =	vst v4;
	v3 =	vld [tilespmem:s21+$0x20]  }
0xb4: {  	v4 =	vld [tilespmem:s21+$0xFFFFFF20]  }
0xb5: {  	[tilespmem:s18+$0xA0] =	vst v2;
	v2 =	vld [tilespmem:s18+$0xB0]  }
0xb6: {  	v11 =	vmul.f32 v11, v1;
	v5 =	vmul.f32 v5, v0;
	v6 =	vld [tilespmem:s21+$0xB0]  }
0xb7: {  	s20 =	simm.s32 $0x4480;
	v15 =	vld [tilespmem:s18+$0xE0]  }
0xb8: {  	v16 =	vld [tilespmem:s20+$0xFFFFFF80];
	v9 =	vmul.f32 v9, v1;
	v5 =	vadd.f32 v5, v11;
	v3 =	vmul.f32 v3, v0  }
0xb9: {  	s19 =	simm.s32 $0x480;
	v17 =	vld [tilespmem:s20+$0xFFFFFF00];
	v8 =	vmul.f32 v8, v1;
	v4 =	vmul.f32 v4, v0  }
0xba: {  	v18 =	vld [tilespmem:s19+$0x0];
	[tilespmem:s18+$0xFFFFFFA0] =	vst v5;
	v3 =	vadd.f32 v3, v9  }
0xbb: {  	v2 =	vmul.f32 v2, v1;
	v14 =	vld [tilespmem:s21+$0xFFFFFFB0];
	v9 =	vmul.f32 v6, v0;
	v4 =	vadd.f32 v4, v8  }
0xbc: {  	v7 =	vld [tilespmem:s18+$0x30];
	[tilespmem:s18+$0x20] =	vst v3  }
0xbd: {  	v2 =	vadd.f32 v9, v2;
	[tilespmem:s18+$0xFFFFFF20] =	vst v4;
	v3 =	vld [tilespmem:s21+$0x30]  }
0xbe: {  	v4 =	vld [tilespmem:s21+$0xFFFFFF30]  }
0xbf: {  	[tilespmem:s18+$0xB0] =	vst v2;
	v2 =	vld [tilespmem:s18+$0xC0]  }
0xc0: {  	v8 =	vmul.f32 v13, v1;
	v9 =	vmul.f32 v14, v0;
	v13 =	vld [tilespmem:s21+$0xC0]  }
0xc1: {  	v19 =	vld [tilespmem:s19+$0xFFFFFF00]  }
0xc2: {  	v22 =	vld [tilespmem:s19+$0xFFFFFF10];
	v8 =	vadd.f32 v9, v8;
	v9 =	vmul.f32 v7, v1;
	v3 =	vmul.f32 v3, v0  }
0xc3: {  	v42 =	vld [tilespmem:s19+$0x10];
	v12 =	vmul.f32 v12, v1;
	v4 =	vmul.f32 v4, v0  }
0xc4: {  	v11 =	vld [tilespmem:s18+$0xFFFFFFC0];
	v3 =	vadd.f32 v3, v9  }
0xc5: {  	v10 =	vld [tilespmem:s18+$0xFFFFFF40];
	v9 =	vmul.f32 v2, v1;
	v13 =	vmul.f32 v13, v0;
	v4 =	vadd.f32 v4, v12  }
0xc6: {  	v5 =	vld [tilespmem:s18+$0x40];
	[tilespmem:s18+$0x30] =	vst v3  }
0xc7: {  	v3 =	vadd.f32 v13, v9;
	[tilespmem:s18+$0xFFFFFF30] =	vst v4;
	v9 =	vld [tilespmem:s21+$0x40]  }
0xc8: {  	v12 =	vld [tilespmem:s21+$0xFFFFFF40]  }
0xc9: {  	[tilespmem:s18+$0xC0] =	vst v3;
	v3 =	vmul.f32 v11, v1;
	v11 =	vld [tilespmem:s18+$0xD0]  }
0xca: {  	v13 =	vld [tilespmem:s21+$0xD0]  }
0xcb: {  	v43 =	vld [tilespmem:s19+$0xFFFFFF20]  }
0xcc: {  	v24 =	vld [tilespmem:s18+$0x70]  }
0xcd: {  	v25 =	vld [tilespmem:s19+$0xFFFFFFA0];
	v5 =	vmul.f32 v5, v1;
	v9 =	vmul.f32 v9, v0  }
0xce: {  	v47 =	vld [tilespmem:s19+$0x20];
	v10 =	vmul.f32 v10, v1;
	v12 =	vmul.f32 v12, v0  }
0xcf: {  	v26 =	vld [tilespmem:s19+$0xFFFFFF30];
	v11 =	vmul.f32 v11, v1;
	v9 =	vadd.f32 v9, v5;
	v13 =	vmul.f32 v13, v0  }
0xd0: {  	v10 =	vadd.f32 v12, v10;
	v12 =	vld [tilespmem:s19+$0x80]  }
0xd1: {  	[tilespmem:s18+$0x40] =	vst v9;
	v9 =	vadd.f32 v13, v11;
	v11 =	vld [tilespmem:s20+$0x80]  }
0xd2: {  	v49 =	vld [tilespmem:s19+$0x30]  }
0xd3: {  	v50 =	vld [tilespmem:s19+$0xFFFFFF40]  }
0xd4: {  	v51 =	vld [tilespmem:s18+$0xF0]  }
0xd5: {  	[tilespmem:s18+$0xD0] =	vst v9;
	v9 =	vld [tilespmem:s19+$0xFFFFFF80]  }
0xd6: {  	v27 =	vld [tilespmem:s19+$0xFFFFFFB0];
	v12 =	vmul.f32 v12, v1;
	v11 =	vmul.f32 v11, v0  }
0xd7: {  	v54 =	vld [tilespmem:s19+$0xFFFFFFC0]  }
0xd8: {  	v59 =	vld [tilespmem:s19+$0xD0];
	v11 =	vadd.f32 v11, v12  }
0xd9: {  	v12 =	vld [tilespmem:s20+$0x0]  }
0xda: {  	v60 =	vld [tilespmem:s19+$0xFFFFFFE0];
	v9 =	vmul.f32 v9, v1;
	[tilespmem:s19+$0x80] =	vst v11;
	v11 =	vmul.f32 v16, v0  }
0xdb: {  	v16 =	vld [tilespmem:s19+$0x90]  }
0xdc: {  	v20 =	vld [tilespmem:s20+$0x90];
	v11 =	vadd.f32 v11, v9  }
0xdd: {  	v63 =	vld [tilespmem:s19+$0xFFFFFF70]  }
0xde: {  	v18 =	vmul.f32 v18, v1;
	v6 =	vld [tilespmem:s18+$0xFFFFFF50];
	[tilespmem:s19+$0xFFFFFF80] =	vst v11;
	v11 =	vmul.f32 v12, v0  }
0xdf: {  	v19 =	vmul.f32 v19, v1;
	v7 =	vld [tilespmem:s18+$0xFFFFFFD0];
	v12 =	vmul.f32 v17, v0  }
0xe0: {  	v17 =	vld [tilespmem:s19+$0xFFFFFF90];
	v11 =	vadd.f32 v11, v18  }
0xe1: {  	[tilespmem:s18+$0xFFFFFFB0] =	vst v8;
	v23 =	vld [tilespmem:s20+$0xFFFFFF90];
	v16 =	vmul.f32 v16, v1;
	v41 =	vmul.f32 v20, v0;
	v12 =	vadd.f32 v12, v19  }
0xe2: {  	v14 =	vld [tilespmem:s21+$0xFFFFFFC0];
	[tilespmem:s19+$0x0] =	vst v11  }
0xe3: {  	v11 =	vadd.f32 v41, v16;
	[tilespmem:s19+$0xFFFFFF00] =	vst v12;
	v12 =	vld [tilespmem:s20+$0x10]  }
0xe4: {  	v16 =	vld [tilespmem:s20+$0xFFFFFF10]  }
0xe5: {  	[tilespmem:s19+$0x90] =	vst v11;
	v11 =	vld [tilespmem:s19+$0xA0]  }
0xe6: {  	v17 =	vmul.f32 v17, v1;
	v44 =	vmul.f32 v23, v0;
	v45 =	vld [tilespmem:s20+$0xA0]  }
0xe7: {  	v46 =	vmul.f32 v42, v1;
	v21 =	vld [tilespmem:s21+$0xE0]  }
0xe8: {  	v8 =	vld [tilespmem:s18+$0x50];
	v4 =	vmul.f32 v14, v0;
	v17 =	vadd.f32 v44, v17;
	v12 =	vmul.f32 v12, v0  }
0xe9: {  	v22 =	vmul.f32 v22, v1;
	v2 =	vld [tilespmem:s18+$0xFFFFFF60];
	v16 =	vmul.f32 v16, v0  }
0xea: {  	v14 =	vadd.f32 v4, v3;
	v4 =	vld [tilespmem:s18+$0xFFFFFFE0];
	[tilespmem:s19+$0xFFFFFF90] =	vst v17;
	v12 =	vadd.f32 v12, v46  }
0xeb: {  	v17 =	vld [tilespmem:s20+$0xFFFFFFA0];
	v11 =	vmul.f32 v11, v1;
	v48 =	vmul.f32 v45, v0;
	v16 =	vadd.f32 v16, v22  }
0xec: {  	v15 =	vmul.f32 v15, v1;
	v3 =	vld [tilespmem:s18+$0x60];
	v21 =	vmul.f32 v21, v0;
	[tilespmem:s19+$0x10] =	vst v12  }
0xed: {  	v11 =	vadd.f32 v48, v11;
	[tilespmem:s19+$0xFFFFFF10] =	vst v16;
	v12 =	vld [tilespmem:s20+$0x20]  }
0xee: {  	[tilespmem:s18+$0xFFFFFFC0] =	vst v14;
	v15 =	vadd.f32 v21, v15;
	v16 =	vld [tilespmem:s20+$0xFFFFFF20]  }
0xef: {  	[tilespmem:s19+$0xA0] =	vst v11;
	v11 =	vld [tilespmem:s19+$0xB0]  }
0xf0: {  	v52 =	vmul.f32 v25, v1;
	[tilespmem:s18+$0xE0] =	vst v15;
	v17 =	vmul.f32 v17, v0;
	v15 =	vld [tilespmem:s20+$0xB0]  }
0xf1: {  	v14 =	vld [tilespmem:s21+$0xFFFFFFD0]  }
0xf2: {  	v5 =	vld [tilespmem:s18+$0xFFFFFF70];
	[tilespmem:s18+$0xFFFFFF40] =	vst v10;
	v17 =	vadd.f32 v17, v52  }
0xf3: {  	v13 =	vld [tilespmem:s21+$0xFFFFFF50];
	v20 =	vmul.f32 v47, v1;
	v12 =	vmul.f32 v12, v0  }
0xf4: {  	v10 =	vld [tilespmem:s21+$0x50];
	v19 =	vmul.f32 v43, v1;
	v16 =	vmul.f32 v16, v0;
	[tilespmem:s19+$0xFFFFFFA0] =	vst v17  }
0xf5: {  	v11 =	vmul.f32 v11, v1;
	v55 =	vld [tilespmem:s20+$0xFFFFFFB0];
	v12 =	vadd.f32 v12, v20;
	v15 =	vmul.f32 v15, v0  }
0xf6: {  	v9 =	vld [tilespmem:s18+$0xFFFFFFF0];
	v16 =	vadd.f32 v16, v19  }
0xf7: {  	v53 =	vld [tilespmem:s21+$0xF0];
	[tilespmem:s19+$0x20] =	vst v12;
	v11 =	vadd.f32 v15, v11  }
0xf8: {  	v6 =	vmul.f32 v6, v1;
	v13 =	vmul.f32 v13, v0;
	[tilespmem:s19+$0xFFFFFF20] =	vst v16;
	v15 =	vld [tilespmem:s20+$0x30]  }
0xf9: {  	v7 =	vmul.f32 v7, v1;
	v16 =	vld [tilespmem:s20+$0xFFFFFF30];
	[tilespmem:s19+$0xB0] =	vst v11;
	v11 =	vmul.f32 v14, v0  }
0xfa: {  	v6 =	vadd.f32 v13, v6;
	v13 =	vmul.f32 v27, v1;
	v14 =	vld [tilespmem:s19+$0xC0];
	v19 =	vmul.f32 v55, v0  }
0xfb: {  	v8 =	vmul.f32 v8, v1;
	v10 =	vmul.f32 v10, v0;
	v56 =	vld [tilespmem:s20+$0xC0];
	v7 =	vadd.f32 v11, v7  }
0xfc: {  	[tilespmem:s18+$0xFFFFFF50] =	vst v6;
	v17 =	vld [tilespmem:s19+$0x40];
	v6 =	vadd.f32 v19, v13  }
0xfd: {  	v12 =	vld [tilespmem:s19+$0xFFFFFF50];
	[tilespmem:s18+$0xFFFFFFD0] =	vst v7;
	v7 =	vadd.f32 v10, v8;
	v8 =	vmul.f32 v49, v1;
	v15 =	vmul.f32 v15, v0  }
0xfe: {  	v10 =	vld [tilespmem:s21+$0xFFFFFF60];
	[tilespmem:s19+$0xFFFFFFB0] =	vst v6  }
0xff: {  	v57 =	vmul.f32 v26, v1;
	v16 =	vmul.f32 v16, v0;
	[tilespmem:s18+$0x50] =	vst v7;
	v7 =	vadd.f32 v15, v8;
	v8 =	vld [tilespmem:s20+$0xFFFFFFC0]  }
0x100: {  	v6 =	vld [tilespmem:s21+$0xFFFFFFE0];
	v14 =	vmul.f32 v14, v1;
	v15 =	vmul.f32 v56, v0  }
0x101: {  	v16 =	vadd.f32 v16, v57;
	v58 =	vld [tilespmem:s21+$0x60]  }
0x102: {  	v11 =	vld [tilespmem:s19+$0xFFFFFFD0];
	[tilespmem:s19+$0x30] =	vst v7;
	v14 =	vadd.f32 v15, v14  }
0x103: {  	v2 =	vmul.f32 v2, v1;
	[tilespmem:s19+$0xFFFFFF30] =	vst v16;
	v15 =	vld [tilespmem:s20+$0x40];
	v10 =	vmul.f32 v10, v0  }
0x104: {  	v16 =	vld [tilespmem:s20+$0xFFFFFF40];
	[tilespmem:s19+$0xC0] =	vst v14;
	v14 =	vmul.f32 v54, v1;
	v8 =	vmul.f32 v8, v0  }
0x105: {  	v4 =	vmul.f32 v4, v1;
	v13 =	vld [tilespmem:s19+$0x50];
	v6 =	vmul.f32 v6, v0;
	v2 =	vadd.f32 v10, v2  }
0x106: {  	v3 =	vmul.f32 v3, v1;
	v10 =	vld [tilespmem:s20+$0xD0];
	v8 =	vadd.f32 v8, v14;
	v14 =	vmul.f32 v58, v0  }
0x107: {  	v61 =	vmul.f32 v9, v1;
	v7 =	vld [tilespmem:s19+$0xFFFFFF60];
	v4 =	vadd.f32 v6, v4;
	[tilespmem:s18+$0xFFFFFF60] =	vst v2  }
0x108: {  	v6 =	vmul.f32 v17, v1;
	v9 =	vld [tilespmem:s21+$0xFFFFFF70];
	v3 =	vadd.f32 v14, v3;
	[tilespmem:s19+$0xFFFFFFC0] =	vst v8;
	v8 =	vmul.f32 v15, v0  }
0x109: {  	[tilespmem:s18+$0xFFFFFFE0] =	vst v4;
	v4 =	vmul.f32 v16, v0;
	v14 =	vmul.f32 v50, v1;
	v15 =	vld [tilespmem:s20+$0xFFFFFFD0]  }
0x10a: {  	v5 =	vmul.f32 v5, v1;
	v18 =	vmul.f32 v51, v1;
	[tilespmem:s18+$0x60] =	vst v3;
	v3 =	vadd.f32 v8, v6;
	v6 =	vld [tilespmem:s21+$0xFFFFFFF0]  }
0x10b: {  	v16 =	vmul.f32 v59, v1;
	v10 =	vmul.f32 v10, v0;
	v4 =	vadd.f32 v4, v14;
	v62 =	vld [tilespmem:s21+$0x70]  }
0x10c: {  	v2 =	vld [tilespmem:s19+$0x60];
	v14 =	vmul.f32 v53, v0;
	v8 =	vmul.f32 v12, v1;
	[tilespmem:s19+$0x40] =	vst v3  }
0x10d: {  	v3 =	vadd.f32 v10, v16;
	v10 =	vmul.f32 v11, v1;
	[tilespmem:s19+$0xFFFFFF40] =	vst v4;
	v16 =	vmul.f32 v9, v0;
	v11 =	vld [tilespmem:s20+$0x50]  }
0x10e: {  	v18 =	vadd.f32 v14, v18;
	v9 =	vmul.f32 v13, v1;
	v14 =	vld [tilespmem:s20+$0xFFFFFF50];
	v13 =	vmul.f32 v15, v0  }
0x10f: {  	v12 =	vld [tilespmem:s19+$0xE0];
	v4 =	vmul.f32 v7, v1;
	[tilespmem:s19+$0xD0] =	vst v3;
	v7 =	vadd.f32 v16, v5;
	v6 =	vmul.f32 v6, v0  }
0x110: {  	v17 =	vmul.f32 v24, v1;
	[tilespmem:s18+$0xF0] =	vst v18;
	v15 =	vadd.f32 v13, v10;
	v13 =	vld [tilespmem:s20+$0xE0];
	v16 =	vmul.f32 v62, v0  }
0x111: {  	v3 =	vmul.f32 v60, v1;
	v5 =	vmul.f32 v2, v1;
	v10 =	vld [tilespmem:s19+$0xFFFFFFF0];
	[tilespmem:s18+$0xFFFFFF70] =	vst v7;
	v7 =	vadd.f32 v6, v61  }
0x112: {  	s22 =	simm.s32 $0x4;
	s23 =	simm.s32 $0x680;
	s21 =	simm.s32 $0x4480;
	v2 =	vmul.f32 v63, v1;
	[tilespmem:s19+$0xFFFFFFD0] =	vst v15;
	v15 =	vmul.f32 v11, v0;
	v11 =	vld [tilespmem:s19+$0x70];
	v6 =	vadd.f32 v16, v17  }
.LBB2_2:
0x113: {  	v16 =	vld [tilespmem:s23+$0x80];
	v14 =	vmul.f32 v14, v0;
	s20 =	sadd.s32 $0x200, s20;
	[tilespmem:s18+$0xFFFFFFF0] =	vst v7  }
0x114: {  	s22 =	sadd.s32 $0x4, s22;
	v17 =	vld [tilespmem:s20+$0x80];
	v9 =	vadd.f32 v15, v9;
	[tilespmem:s18+$0x70] =	vst v6;
	s18 =	smov.u32 s19;
	s19 =	smov.u32 s23  }
0x115: {  	p0 =	slt.u32 s22, $0x7C;
	v15 =	vld [tilespmem:s20+$0xFFFFFF00];
	v6 =	vadd.f32 v14, v8;
	v8 =	vmul.f32 v12, v1;
	v12 =	vmul.f32 v13, v0  }
0x116: {  	v13 =	vld [tilespmem:s23+$0xFFFFFF80];
	v7 =	vmul.f32 v10, v1;
	[tilespmem:s18+$0x50] =	vst v9  }
0x117: {  	v9 =	vld [tilespmem:s20+$0xFFFFFF80];
	[tilespmem:s18+$0xFFFFFF50] =	vst v6;
	v6 =	vmul.f32 v11, v1;
	v8 =	vadd.f32 v12, v8  }
0x118: {  	v10 =	vld [tilespmem:s23+$0x0]  }
0x119: {  	v11 =	vmul.f32 v16, v1;
	v12 =	vmul.f32 v17, v0;
	[tilespmem:s18+$0xE0] =	vst v8;
	v8 =	vld [tilespmem:s18+$0xF0]  }
0x11a: {  	v14 =	vmul.f32 v15, v0;
	v15 =	vld [tilespmem:s21+$0xF0]  }
0x11b: {  	v13 =	vmul.f32 v13, v1;
	v16 =	vld [tilespmem:s20+$0x0];
	v11 =	vadd.f32 v12, v11  }
0x11c: {  	v12 =	vld [tilespmem:s23+$0xFFFFFF00];
	v9 =	vmul.f32 v9, v0  }
0x11d: {  	v10 =	vmul.f32 v10, v1;
	[tilespmem:s23+$0x80] =	vst v11;
	v11 =	vld [tilespmem:s23+$0x90]  }
0x11e: {  	v9 =	vadd.f32 v9, v13;
	v13 =	vld [tilespmem:s20+$0x90]  }
0x11f: {  	v8 =	vmul.f32 v8, v1;
	v17 =	vld [tilespmem:s23+$0xFFFFFF10];
	v15 =	vmul.f32 v15, v0  }
0x120: {  	[tilespmem:s23+$0xFFFFFF80] =	vst v9;
	v9 =	vld [tilespmem:s23+$0xFFFFFF90];
	v16 =	vmul.f32 v16, v0  }
0x121: {  	v12 =	vmul.f32 v12, v1;
	v18 =	vld [tilespmem:s20+$0xFFFFFF90];
	v8 =	vadd.f32 v15, v8  }
0x122: {  	v10 =	vadd.f32 v16, v10;
	v15 =	vld [tilespmem:s23+$0x10]  }
0x123: {  	v11 =	vmul.f32 v11, v1;
	v12 =	vadd.f32 v14, v12;
	v14 =	vld [tilespmem:s23+$0xFFFFFF20];
	v13 =	vmul.f32 v13, v0;
	[tilespmem:s18+$0xF0] =	vst v8  }
0x124: {  	v8 =	vmul.f32 v17, v1;
	v16 =	vld [tilespmem:s23+$0xFFFFFFA0];
	[tilespmem:s23+$0x0] =	vst v10  }
0x125: {  	[tilespmem:s23+$0xFFFFFF00] =	vst v12;
	v9 =	vmul.f32 v9, v1;
	v10 =	vld [tilespmem:s20+$0x10];
	v11 =	vadd.f32 v13, v11  }
0x126: {  	v12 =	vld [tilespmem:s20+$0xFFFFFF10];
	v13 =	vmul.f32 v18, v0  }
0x127: {  	v15 =	vmul.f32 v15, v1;
	[tilespmem:s23+$0x90] =	vst v11;
	v11 =	vld [tilespmem:s23+$0xA0]  }
0x128: {  	v14 =	vmul.f32 v14, v1;
	v9 =	vadd.f32 v13, v9;
	v13 =	vld [tilespmem:s20+$0xA0]  }
0x129: {  	v16 =	vmul.f32 v16, v1;
	v17 =	vld [tilespmem:s23+$0x20]  }
0x12a: {  	v18 =	vld [tilespmem:s23+$0xFFFFFF30];
	[tilespmem:s23+$0xFFFFFF90] =	vst v9;
	v9 =	vmul.f32 v10, v0  }
0x12b: {  	v10 =	vmul.f32 v12, v0;
	v12 =	vld [tilespmem:s20+$0xFFFFFFA0]  }
0x12c: {  	v19 =	vld [tilespmem:s23+$0xFFFFFFB0];
	v9 =	vadd.f32 v9, v15  }
0x12d: {  	v11 =	vmul.f32 v11, v1;
	v8 =	vadd.f32 v10, v8;
	v10 =	vld [tilespmem:s23+$0x30];
	v13 =	vmul.f32 v13, v0  }
0x12e: {  	v15 =	vld [tilespmem:s23+$0xFFFFFF40];
	[tilespmem:s23+$0x10] =	vst v9;
	v9 =	vmul.f32 v17, v1  }
0x12f: {  	[tilespmem:s23+$0xFFFFFF10] =	vst v8;
	v17 =	vmul.f32 v18, v1;
	v8 =	vld [tilespmem:s20+$0x20];
	v11 =	vadd.f32 v13, v11  }
0x130: {  	v13 =	vld [tilespmem:s20+$0xFFFFFF20];
	v12 =	vmul.f32 v12, v0  }
0x131: {  	v18 =	vmul.f32 v19, v1;
	[tilespmem:s23+$0xA0] =	vst v11;
	v11 =	vld [tilespmem:s23+$0xB0]  }
0x132: {  	v12 =	vadd.f32 v12, v16;
	v10 =	vmul.f32 v10, v1;
	v16 =	vld [tilespmem:s20+$0xB0]  }
0x133: {  	v15 =	vmul.f32 v15, v1;
	v19 =	vld [tilespmem:s23+$0xFFFFFFC0]  }
0x134: {  	[tilespmem:s23+$0xFFFFFFA0] =	vst v12;
	v8 =	vmul.f32 v8, v0;
	v12 =	vld [tilespmem:s23+$0x40]  }
0x135: {  	v13 =	vmul.f32 v13, v0;
	v20 =	vld [tilespmem:s20+$0xFFFFFFB0]  }
0x136: {  	v21 =	vld [tilespmem:s23+$0xFFFFFF50];
	v8 =	vadd.f32 v8, v9  }
0x137: {  	v11 =	vmul.f32 v11, v1;
	v9 =	vadd.f32 v13, v14;
	v13 =	vld [tilespmem:s23+$0xFFFFFFD0];
	v14 =	vmul.f32 v16, v0  }
0x138: {  	v16 =	vmul.f32 v19, v1;
	[tilespmem:s23+$0x20] =	vst v8;
	v19 =	vld [tilespmem:s23+$0x50]  }
0x139: {  	[tilespmem:s23+$0xFFFFFF20] =	vst v9;
	v22 =	vld [tilespmem:s20+$0x30];
	v12 =	vmul.f32 v12, v1;
	v9 =	vadd.f32 v14, v11  }
0x13a: {  	v11 =	vld [tilespmem:s20+$0xFFFFFF30];
	v14 =	vmul.f32 v20, v0  }
0x13b: {  	v8 =	vmul.f32 v21, v1;
	[tilespmem:s23+$0xB0] =	vst v9;
	v20 =	vld [tilespmem:s23+$0xC0]  }
0x13c: {  	v14 =	vadd.f32 v14, v18;
	v13 =	vmul.f32 v13, v1;
	v18 =	vld [tilespmem:s20+$0xC0]  }
0x13d: {  	v9 =	vmul.f32 v19, v1;
	v19 =	vld [tilespmem:s21+$0xFFFFFF60]  }
0x13e: {  	[tilespmem:s23+$0xFFFFFFB0] =	vst v14;
	v14 =	vmul.f32 v22, v0;
	v21 =	vld [tilespmem:s21+$0xFFFFFFE0]  }
0x13f: {  	v11 =	vmul.f32 v11, v0;
	v22 =	vld [tilespmem:s20+$0xFFFFFFC0]  }
0x140: {  	v10 =	vadd.f32 v14, v10;
	v14 =	vld [tilespmem:s21+$0x60]  }
0x141: {  	v20 =	vmul.f32 v20, v1;
	v11 =	vadd.f32 v11, v17;
	v17 =	vld [tilespmem:s23+$0xFFFFFF60];
	v18 =	vmul.f32 v18, v0  }
0x142: {  	v23 =	vld [tilespmem:s23+$0xFFFFFFE0];
	[tilespmem:s23+$0x30] =	vst v10;
	v10 =	vmul.f32 v19, v0  }
0x143: {  	[tilespmem:s23+$0xFFFFFF30] =	vst v11;
	v11 =	vld [tilespmem:s20+$0x40];
	v18 =	vadd.f32 v18, v20;
	v19 =	vmul.f32 v21, v0  }
0x144: {  	v20 =	vld [tilespmem:s20+$0xFFFFFF40];
	v21 =	vmul.f32 v22, v0;
	v10 =	vadd.f32 v10, v4  }
0x145: {  	[tilespmem:s23+$0xC0] =	vst v18;
	v18 =	vld [tilespmem:s23+$0xD0];
	v19 =	vadd.f32 v19, v3;
	v14 =	vmul.f32 v14, v0  }
0x146: {  	v4 =	vmul.f32 v17, v1;
	v16 =	vadd.f32 v21, v16;
	v17 =	vld [tilespmem:s20+$0xD0];
	[tilespmem:s18+$0xFFFFFF60] =	vst v10  }
0x147: {  	v3 =	vmul.f32 v23, v1;
	v10 =	vld [tilespmem:s23+$0x60];
	[tilespmem:s18+$0xFFFFFFE0] =	vst v19;
	v5 =	vadd.f32 v14, v5  }
0x148: {  	[tilespmem:s23+$0xFFFFFFC0] =	vst v16;
	v11 =	vmul.f32 v11, v0;
	v14 =	vld [tilespmem:s21+$0xFFFFFF70]  }
0x149: {  	v16 =	vmul.f32 v20, v0;
	v19 =	vld [tilespmem:s20+$0xFFFFFFD0];
	[tilespmem:s18+$0x60] =	vst v5  }
0x14a: {  	v5 =	vadd.f32 v11, v12;
	v11 =	vld [tilespmem:s21+$0xFFFFFFF0]  }
0x14b: {  	v12 =	vadd.f32 v16, v15;
	v15 =	vmul.f32 v18, v1;
	v16 =	vmul.f32 v17, v0;
	v17 =	vld [tilespmem:s21+$0x70];
	s21 =	smov.u32 s20  }
0x14c: {  	v18 =	vld [tilespmem:s23+$0xFFFFFF70];
	[tilespmem:s23+$0x40] =	vst v5;
	v5 =	vmul.f32 v10, v1  }
0x14d: {  	[tilespmem:s23+$0xFFFFFF40] =	vst v12;
	v20 =	vld [tilespmem:s20+$0x50];
	v10 =	vadd.f32 v16, v15;
	v15 =	vmul.f32 v14, v0  }
.Ltmp0:
0x14e: {  	v14 =	vld [tilespmem:s20+$0xFFFFFF50];
	v16 =	vmul.f32 v19, v0;
	(pc) =	sbr.rel @p0 .LBB2_2-.Ltmp0, $4  }
0x14f: {  	[tilespmem:s23+$0xD0] =	vst v10;
	v12 =	vld [tilespmem:s23+$0xE0];
	v15 =	vadd.f32 v15, v2;
	v11 =	vmul.f32 v11, v0  }
0x150: {  	v16 =	vadd.f32 v16, v13;
	v13 =	vld [tilespmem:s20+$0xE0];
	v17 =	vmul.f32 v17, v0  }
0x151: {  	v2 =	vmul.f32 v18, v1;
	v10 =	vld [tilespmem:s23+$0xFFFFFFF0];
	[tilespmem:s18+$0xFFFFFF70] =	vst v15;
	v7 =	vadd.f32 v11, v7  }
0x152: {  	s23 =	sadd.s32 $0x200, s23;
	[tilespmem:s19+$0xFFFFFFD0] =	vst v16;
	v15 =	vmul.f32 v20, v0;
	v11 =	vld [tilespmem:s19+$0x70];
	v6 =	vadd.f32 v17, v6  }
0x153: {  	v14 =	vmul.f32 v14, v0  }
0x154: {  	v9 =	vadd.f32 v15, v9  }
0x155: {  	v8 =	vadd.f32 v14, v8  }
0x156: {  	v50 =	vld [tilespmem:s21+$0xFFFFFFE0];
	[tilespmem:s19+$0x50] =	vst v9  }
0x157: {  	[tilespmem:s19+$0xFFFFFF50] =	vst v8;
	v51 =	vld [tilespmem:s21+$0x60]  }
0x158: {  	v8 =	vld [tilespmem:s21+$0xFFFFFF60];
	_ =	sdelay $0x1  }
0x159: {  	v12 =	vmul.f32 v12, v1;
	v13 =	vmul.f32 v13, v0  }
0x15a: {  	v9 =	vmul.f32 v50, v0  }
0x15b: {  	v12 =	vadd.f32 v13, v12;
	v52 =	vmul.f32 v51, v0  }
0x15c: {  	v3 =	vadd.f32 v9, v3;
	v8 =	vmul.f32 v8, v0  }
0x15d: {  	v53 =	vld [tilespmem:s19+$0xF0];
	[tilespmem:s19+$0xE0] =	vst v12;
	v55 =	vadd.f32 v52, v5  }
0x15e: {  	v54 =	vld [tilespmem:s21+$0xF0];
	[tilespmem:s19+$0xFFFFFFE0] =	vst v3;
	v4 =	vadd.f32 v8, v4  }
0x15f: {  	v57 =	vld [tilespmem:s21+$0xFFFFFFF0];
	[tilespmem:s19+$0x60] =	vst v55  }
0x160: {  	[tilespmem:s19+$0xFFFFFF60] =	vst v4;
	v58 =	vld [tilespmem:s21+$0x70]  }
0x161: {  	v56 =	vld [tilespmem:s21+$0xFFFFFF70];
	_ =	sdelay $0x1  }
0x162: {  	v59 =	vmul.f32 v53, v1;
	v9 =	vmul.f32 v54, v0  }
0x163: {  	v60 =	vmul.f32 v10, v1;
	v4 =	vmul.f32 v57, v0  }
0x164: {  	[tilespmem:s18+$0xFFFFFFF0] =	vst v7;
	v61 =	vmul.f32 v11, v1;
	v8 =	vadd.f32 v9, v59;
	v62 =	vmul.f32 v58, v0  }
0x165: {  	[tilespmem:s18+$0x70] =	vst v6;
	v63 =	vadd.f32 v4, v60;
	v3 =	vmul.f32 v56, v0  }
0x166: {  	[tilespmem:s19+$0xF0] =	vst v8;
	v0 =	vadd.f32 v62, v61  }
0x167: {  	s17 =	sadd.s32 $0x1, s17;
	[tilespmem:s19+$0xFFFFFFF0] =	vst v63;
	v2 =	vadd.f32 v3, v2  }
0x168: {  	p0 =	sne.s32 s17, s8;
	[tilespmem:s19+$0x70] =	vst v0  }
.Ltmp1:
0x169: {  	[tilespmem:s19+$0xFFFFFF70] =	vst v2;
	(pc) =	sbr.rel @p0 .LBB2_1-.Ltmp1, $4  }
0x16a: {  	[hbm4b:s7+s5] =	stream.linear.scatter [tilespmem:s11], [sflag:$0x2], $0x4000, $0x38;
	[tilespmem:$0x8200] =	vst v63  }
0x16b: {  	_ =	swait.ge [sflag:s16], $0x4000  }
0x16c: {  	[sflag:s16] =	ssyncset.done $0x0  }
0x16d: {  	[sflag:s16] =	ssyncadd.s32 $0xFFFFC000  }
0x16e: {  	_ =	sfence.sel $0x180000  }
0x16f: {  	[bflag:$0x0] =	sbarrier.arrive $0xFFFF  }
0x170: {  	p0 =	sne.s32 s4, $0x0;
	_ =	strace $0x90000047  }
0x171: {  	s0 =	sadd.s32 @!p0 $0x100000, s0;
	[bflag:$0x2] =	sbarrier.arrive $0xFFFF  }
0x172: {  	[sflag:s0] =	ssyncadd.tile.s32 @!p0 $0x1;
	_ =	shalt  }
.Lfunc_end2:
_tile_overlayer_lowered:
.L_overlay_start_2:
0x173: {  	(tag) =	ssettag $0x2  }
0x174: {  	s0 =	rddreg [dreg:$0x0];
	s2 =	stileid.u32  }
0x175: {  	s1 =	rddreg [dreg:$0x1];
	p0 =	sne.s32 s2, $0x0  }
0x176: {  	s3 =	rddreg [dreg:$0x2];
	[bflag:$0x3] =	sbarrier.arrive $0xFFFF;
	s2 =	simm.s32 @!p0 $0x1C03  }
0x177: {  	[timem:s3], [sflag:s2] =	dma.local @!p0 [hbm:s0], s1  }
0x178: {  	s0 =	simm.s32 @!p0 $0x3  }
0x179: {  	_ =	swait.ge @!p0 [sflag:s0], s1  }
0x17a: {  	s1 =	ssub.s32 @!p0 $0x0, s1;
	[sflag:s0] =	ssyncset.done @!p0 $0x0  }
0x17b: {  	[sflag:s0] =	ssyncadd.s32 @!p0 s1  }
0x17c: {  	[bflag:$0x3] =	sbarrier.arrive $0xFFFF  }
0x17d: {  	_ =	shalt  }

</sc_bundles>
